<compile_context>
chip_gen: v7x
topology: tpu7x:2x2x1
jax: 0.10.2.dev20260603
libtpu: 0.0.44.dev20260713+nightly
codegen_flags: <defaults>
</compile_context>

<pallas_src>
import functools

import jax
import jax.numpy as jnp
from jax import lax
from jax.experimental import pallas as pl
from jax.experimental.pallas import tpu as pltpu
from jax.experimental.pallas import tpu_sc as plsc

NUM_E = 1024
DIM = 64
BATCH = 16384
BETA = 0.25

TILE = 8192
GRID = BATCH // TILE
LANES = 128
NCHUNK = NUM_E // LANES
IDX_ROWS = BATCH // LANES

SC_CORES = 2
SC_SUBCORES = 16
SC_WORKERS = SC_CORES * SC_SUBCORES


def _vq_argmin_kernel(zT_ref, wT_ref, idx_ref, msum_ref):
    i = pl.program_id(0)
    zT = zT_ref[...]
    wT = wT_ref[...]
    znorm = jnp.sum(zT * zT, axis=0, keepdims=True)
    wnorm = jnp.sum(wT * wT, axis=0, keepdims=True)
    wnormc = jnp.swapaxes(wnorm, 0, 1)
    tT = 2.0 * lax.dot_general(wT, zT, (((0,), (0,)), ((), ())))

    mval = None
    mchunk = None
    for k in range(NCHUNK):
        tk = lax.slice_in_dim(tT, k * LANES, (k + 1) * LANES, axis=0)
        wk = lax.slice_in_dim(wnormc, k * LANES, (k + 1) * LANES, axis=0)
        dk = (znorm + wk) - tk
        if k == 0:
            mval = dk
            mchunk = jnp.zeros(dk.shape, jnp.int32)
        else:
            lt = dk < mval
            mval = jnp.where(lt, dk, mval)
            mchunk = jnp.where(lt, k, mchunk)

    m = jnp.min(mval, axis=0, keepdims=True)
    row = lax.broadcasted_iota(jnp.int32, mval.shape, 0)
    fullidx = mchunk * LANES + row
    idx = jnp.min(jnp.where(mval == m, fullidx, NUM_E), axis=0)
    idx_ref[...] = idx.reshape(TILE // LANES, LANES)

    @pl.when(i == 0)
    def _init():
        msum_ref[0, 0] = 0.0

    msum_ref[0, 0] += jnp.sum(m)


def _tc_argmin(zT, wT):
    return pl.pallas_call(
        _vq_argmin_kernel,
        grid=(GRID,),
        in_specs=[
            pl.BlockSpec((DIM, TILE), lambda i: (0, i)),
            pl.BlockSpec((DIM, NUM_E), lambda i: (0, 0)),
        ],
        out_specs=[
            pl.BlockSpec((TILE // LANES, LANES), lambda i: (i, 0)),
            pl.BlockSpec(memory_space=pltpu.SMEM),
        ],
        out_shape=[
            jax.ShapeDtypeStruct((IDX_ROWS, LANES), jnp.int32),
            jax.ShapeDtypeStruct((1, 1), jnp.float32),
        ],
        compiler_params=pltpu.CompilerParams(
            dimension_semantics=("arbitrary",),
        ),
    )(zT, wT)


DIMS_PER_WORKER = DIM // SC_WORKERS
SC_VLEN = 16


@functools.cache
def _make_sc_gather():
    @functools.partial(
        pl.kernel,
        mesh=plsc.VectorSubcoreMesh(core_axis_name="c", subcore_axis_name="s"),
        out_type=jax.ShapeDtypeStruct((DIM, BATCH), jnp.float32),
        scratch_types=[
            pltpu.VMEM((DIMS_PER_WORKER * NUM_E,), jnp.float32),
            pltpu.VMEM((IDX_ROWS, LANES), jnp.int32),
            pltpu.VMEM((DIMS_PER_WORKER, BATCH), jnp.float32),
        ],
        compiler_params=pltpu.CompilerParams(needs_layout_passes=False),
    )
    def _sc_gather(wt_hbm, idx_hbm, out_hbm, wt_v, idx_v, out_v):
        wid = lax.axis_index("s") * SC_CORES + lax.axis_index("c")
        d0 = wid * DIMS_PER_WORKER
        for d in range(DIMS_PER_WORKER):
            pltpu.sync_copy(wt_hbm.at[d0 + d],
                            wt_v.at[pl.ds(d * NUM_E, NUM_E)])
        pltpu.sync_copy(idx_hbm, idx_v)

        @plsc.parallel_loop(0, IDX_ROWS, unroll=4)
        def _body(r):
            for j in range(LANES // SC_VLEN):
                idx16 = idx_v[r, pl.ds(j * SC_VLEN, SC_VLEN)]
                for d in range(DIMS_PER_WORKER):
                    vals = plsc.load_gather(wt_v, [idx16 + (d * NUM_E)])
                    out_v[d, pl.ds(r * LANES + j * SC_VLEN, SC_VLEN)] = vals
        pltpu.sync_copy(out_v, out_hbm.at[pl.ds(d0, DIMS_PER_WORKER)])

    return _sc_gather


def kernel(z, embedding_weight):
    idx2, msum = _tc_argmin(z.T, embedding_weight.T)
    z_q = _make_sc_gather()(embedding_weight.T, idx2).T
    vq_loss = jnp.reshape(msum[0, 0] * ((1.0 + BETA) / (BATCH * DIM)), ())
    return (z_q, vq_loss)

# --- scband reference (transcript-rebuilt; emitter-appended) ---
"""Pipeline reference for scband-vector-quantizer-62792421867639 (READ-ONLY COPY).

The authoritative reference and input builder live on the scoring server;
editing this copy changes nothing except your own understanding.
"""

import jax, jax.numpy as jnp
import numpy as np

NUM_EMBEDDINGS = 1024
EMBEDDING_DIM = 64
BETA = 0.25
B = 16384


def setup_inputs(seed: int = 0) -> dict:
    key = jax.random.key(seed)
    k1, k2 = jax.random.split(key)
    z = jax.random.normal(k1, (B, EMBEDDING_DIM), dtype=jnp.float32)
    lim = 1.0 / NUM_EMBEDDINGS
    embedding_weight = jax.random.uniform(
        k2, (NUM_EMBEDDINGS, EMBEDDING_DIM), dtype=jnp.float32,
        minval=-lim, maxval=lim)
    return {"z": z, "embedding_weight": embedding_weight}


def reference(z, embedding_weight):
    # distances: (B, 1) + (K,) - (B, K) -> (B, K)
    distances = (
        jnp.sum(z ** 2, axis=1, keepdims=True)
        + jnp.sum(embedding_weight ** 2, axis=1)
        - 2.0 * jnp.matmul(z, embedding_weight.T)
    )
    encoding_indices = jnp.argmin(distances, axis=1)
    z_q = jnp.take(embedding_weight, encoding_indices, axis=0)  # (B, D)

    commitment_loss = jnp.mean((jax.lax.stop_gradient(z_q) - z) ** 2) * BETA
    embedding_loss = jnp.mean((z_q - jax.lax.stop_gradient(z)) ** 2)
    vq_loss = commitment_loss + embedding_loss

    # Straight-through estimator
    z_q_out = z + jax.lax.stop_gradient(z_q - z)
    return (z_q_out, vq_loss)

if __name__ == "__main__":
    import jax
    _d = setup_inputs()
    print(jax.jit(kernel)(*tuple(_d.values())))

</pallas_src>

<mosaic_0001>
#map = affine_map<(d0, d1) -> (0, 0)>
module attributes {stable_mosaic.version = 14 : i64} {
  func.func @_sc_gather(%arg0: i32, %arg1: i32, %arg2: memref<64x1024xf32, #tpu.memory_space<hbm>>, %arg3: memref<128x128xi32, #tpu.memory_space<hbm>>, %arg4: memref<64x16384xf32, #tpu.memory_space<hbm>>, %arg5: memref<2048xf32, #tpu.memory_space<vmem>>, %arg6: memref<128x128xi32, #tpu.memory_space<vmem>>, %arg7: memref<2x16384xf32, #tpu.memory_space<vmem>>) attributes {dimension_semantics = [#tpu.dimension_semantics<core_parallel>, #tpu.dimension_semantics<subcore_parallel>], iteration_bounds = array<i64: 2, 16>, scalar_prefetch = 0 : i64, scratch_operands = 3 : i64, tpu.core_type = #tpu.core_type<sc_vector_subcore>, window_params = [{transform_indices = #map}, {transform_indices = #map}, {transform_indices = #map}]} {
    %mul3A = arith.constant 2 : i32
    %mul3A_0 = arith.muli %arg1, %mul3A : i32
    %add3A = arith.addi %mul3A_0, %arg0 : i32
    %mul3A_1 = arith.constant 2 : i32
    %mul3A_2 = arith.muli %add3A, %mul3A_1 : i32
    %add3A_3 = arith.constant 0 : i32
    %add3A_4 = arith.addi %mul3A_2, %add3A_3 : i32
    "tpu.region"() ({
      %run_scoped3A = tpu.sem_alloc : memref<!tpu.dma_semaphore, #tpu.memory_space<semaphore_mem>>
      %dma_start3A = arith.constant 0 : i32
      %dma_start3A_9 = tpu.memref_slice %arg5[%dma_start3A] : memref<2048xf32, #tpu.memory_space<vmem>> -> memref<1024xf32, #tpu.memory_space<vmem>>
      %dma_start3A_10 = arith.constant 0 : i32
      %dma_start3A_11 = tpu.memref_slice %arg2[%add3A_4, %dma_start3A_10] : memref<64x1024xf32, #tpu.memory_space<hbm>> -> memref<1x1024xf32, #tpu.memory_space<hbm>>
      %dma_start3A_12 = tpu.memref_squeeze %dma_start3A_11 : memref<1x1024xf32, #tpu.memory_space<hbm>> -> memref<1024xf32, #tpu.memory_space<hbm>>
      %dma_start3A_13 = arith.constant 0 : i32
      %dma_start3A_14 = tpu.memref_slice %arg5[%dma_start3A_13] : memref<2048xf32, #tpu.memory_space<vmem>> -> memref<1024xf32, #tpu.memory_space<vmem>>
      %dma_start3A_15 = arith.constant 0 : i32
      %dma_start3A_16 = tpu.memref_slice %arg2[%add3A_4, %dma_start3A_15] : memref<64x1024xf32, #tpu.memory_space<hbm>> -> memref<1x1024xf32, #tpu.memory_space<hbm>>
      %dma_start3A_17 = tpu.memref_squeeze %dma_start3A_16 : memref<1x1024xf32, #tpu.memory_space<hbm>> -> memref<1024xf32, #tpu.memory_space<hbm>>
      tpu.enqueue_dma source(%dma_start3A_17 : memref<1024xf32, #tpu.memory_space<hbm>>) target(%dma_start3A_14 : memref<1024xf32, #tpu.memory_space<vmem>>) target_semaphore(%run_scoped3A : memref<!tpu.dma_semaphore, #tpu.memory_space<semaphore_mem>>)
      %dma_wait3A = arith.constant 0 : i32
      %dma_wait3A_18 = tpu.memref_slice %arg5[%dma_wait3A] : memref<2048xf32, #tpu.memory_space<vmem>> -> memref<1024xf32, #tpu.memory_space<vmem>>
      %dma_wait3A_19 = arith.constant 0 : i32
      %dma_wait3A_20 = tpu.memref_slice %arg2[%add3A_4, %dma_wait3A_19] : memref<64x1024xf32, #tpu.memory_space<hbm>> -> memref<1x1024xf32, #tpu.memory_space<hbm>>
      %dma_wait3A_21 = tpu.memref_squeeze %dma_wait3A_20 : memref<1x1024xf32, #tpu.memory_space<hbm>> -> memref<1024xf32, #tpu.memory_space<hbm>>
      %dma_wait3A_22 = arith.constant 0 : i32
      %dma_wait3A_23 = tpu.memref_slice %arg5[%dma_wait3A_22] : memref<2048xf32, #tpu.memory_space<vmem>> -> memref<1024xf32, #tpu.memory_space<vmem>>
      %dma_wait3A_24 = arith.constant 0 : i32
      %dma_wait3A_25 = tpu.memref_slice %arg2[%add3A_4, %dma_wait3A_24] : memref<64x1024xf32, #tpu.memory_space<hbm>> -> memref<1x1024xf32, #tpu.memory_space<hbm>>
      %dma_wait3A_26 = tpu.memref_squeeze %dma_wait3A_25 : memref<1x1024xf32, #tpu.memory_space<hbm>> -> memref<1024xf32, #tpu.memory_space<hbm>>
      tpu.wait_dma2 semaphore(%run_scoped3A : memref<!tpu.dma_semaphore, #tpu.memory_space<semaphore_mem>>) src(%dma_wait3A_26 : memref<1024xf32, #tpu.memory_space<hbm>>) dst(%dma_wait3A_23 : memref<1024xf32, #tpu.memory_space<vmem>>)
      tpu.yield
    }) : () -> ()
    %add3A_5 = arith.constant 1 : i32
    %add3A_6 = arith.addi %mul3A_2, %add3A_5 : i32
    "tpu.region"() ({
      %run_scoped3A = tpu.sem_alloc : memref<!tpu.dma_semaphore, #tpu.memory_space<semaphore_mem>>
      %dma_start3A = arith.constant 1024 : i32
      %dma_start3A_9 = tpu.memref_slice %arg5[%dma_start3A] : memref<2048xf32, #tpu.memory_space<vmem>> -> memref<1024xf32, #tpu.memory_space<vmem>>
      %dma_start3A_10 = arith.constant 0 : i32
      %dma_start3A_11 = tpu.memref_slice %arg2[%add3A_6, %dma_start3A_10] : memref<64x1024xf32, #tpu.memory_space<hbm>> -> memref<1x1024xf32, #tpu.memory_space<hbm>>
      %dma_start3A_12 = tpu.memref_squeeze %dma_start3A_11 : memref<1x1024xf32, #tpu.memory_space<hbm>> -> memref<1024xf32, #tpu.memory_space<hbm>>
      %dma_start3A_13 = arith.constant 1024 : i32
      %dma_start3A_14 = tpu.memref_slice %arg5[%dma_start3A_13] : memref<2048xf32, #tpu.memory_space<vmem>> -> memref<1024xf32, #tpu.memory_space<vmem>>
      %dma_start3A_15 = arith.constant 0 : i32
      %dma_start3A_16 = tpu.memref_slice %arg2[%add3A_6, %dma_start3A_15] : memref<64x1024xf32, #tpu.memory_space<hbm>> -> memref<1x1024xf32, #tpu.memory_space<hbm>>
      %dma_start3A_17 = tpu.memref_squeeze %dma_start3A_16 : memref<1x1024xf32, #tpu.memory_space<hbm>> -> memref<1024xf32, #tpu.memory_space<hbm>>
      tpu.enqueue_dma source(%dma_start3A_17 : memref<1024xf32, #tpu.memory_space<hbm>>) target(%dma_start3A_14 : memref<1024xf32, #tpu.memory_space<vmem>>) target_semaphore(%run_scoped3A : memref<!tpu.dma_semaphore, #tpu.memory_space<semaphore_mem>>)
      %dma_wait3A = arith.constant 1024 : i32
      %dma_wait3A_18 = tpu.memref_slice %arg5[%dma_wait3A] : memref<2048xf32, #tpu.memory_space<vmem>> -> memref<1024xf32, #tpu.memory_space<vmem>>
      %dma_wait3A_19 = arith.constant 0 : i32
      %dma_wait3A_20 = tpu.memref_slice %arg2[%add3A_6, %dma_wait3A_19] : memref<64x1024xf32, #tpu.memory_space<hbm>> -> memref<1x1024xf32, #tpu.memory_space<hbm>>
      %dma_wait3A_21 = tpu.memref_squeeze %dma_wait3A_20 : memref<1x1024xf32, #tpu.memory_space<hbm>> -> memref<1024xf32, #tpu.memory_space<hbm>>
      %dma_wait3A_22 = arith.constant 1024 : i32
      %dma_wait3A_23 = tpu.memref_slice %arg5[%dma_wait3A_22] : memref<2048xf32, #tpu.memory_space<vmem>> -> memref<1024xf32, #tpu.memory_space<vmem>>
      %dma_wait3A_24 = arith.constant 0 : i32
      %dma_wait3A_25 = tpu.memref_slice %arg2[%add3A_6, %dma_wait3A_24] : memref<64x1024xf32, #tpu.memory_space<hbm>> -> memref<1x1024xf32, #tpu.memory_space<hbm>>
      %dma_wait3A_26 = tpu.memref_squeeze %dma_wait3A_25 : memref<1x1024xf32, #tpu.memory_space<hbm>> -> memref<1024xf32, #tpu.memory_space<hbm>>
      tpu.wait_dma2 semaphore(%run_scoped3A : memref<!tpu.dma_semaphore, #tpu.memory_space<semaphore_mem>>) src(%dma_wait3A_26 : memref<1024xf32, #tpu.memory_space<hbm>>) dst(%dma_wait3A_23 : memref<1024xf32, #tpu.memory_space<vmem>>)
      tpu.yield
    }) : () -> ()
    "tpu.region"() ({
      %run_scoped3A = tpu.sem_alloc : memref<!tpu.dma_semaphore, #tpu.memory_space<semaphore_mem>>
      tpu.enqueue_dma source(%arg3 : memref<128x128xi32, #tpu.memory_space<hbm>>) target(%arg6 : memref<128x128xi32, #tpu.memory_space<vmem>>) target_semaphore(%run_scoped3A : memref<!tpu.dma_semaphore, #tpu.memory_space<semaphore_mem>>)
      tpu.wait_dma2 semaphore(%run_scoped3A : memref<!tpu.dma_semaphore, #tpu.memory_space<semaphore_mem>>) src(%arg3 : memref<128x128xi32, #tpu.memory_space<hbm>>) dst(%arg6 : memref<128x128xi32, #tpu.memory_space<vmem>>)
      tpu.yield
    }) : () -> ()
    %parallel_loop3A = arith.constant 0 : i32
    %parallel_loop3A_7 = arith.constant 128 : i32
    %parallel_loop3A_8 = arith.constant 1 : i32
    scf.for %parallel_loop3A_9 = %parallel_loop3A to %parallel_loop3A_7 step %parallel_loop3A_8  : i32 {
      %parallel_loop3A_10 = arith.index_cast %parallel_loop3A_9 : i32 to index
      %parallel_loop3A_11 = arith.constant 0 : index
      %parallel_loop3A_12 = tpu.vector_load %arg6[%parallel_loop3A_10, %parallel_loop3A_11] {strides = array<i32>} : memref<128x128xi32, #tpu.memory_space<vmem>>, vector<16xi32>,
      %parallel_loop3A_13 = arith.constant 0 : i32
      %parallel_loop3A_14 = vector.broadcast %parallel_loop3A_13 : i32 to vector<16xi32>
      %parallel_loop3A_15 = arith.addi %parallel_loop3A_12, %parallel_loop3A_14 : vector<16xi32>
      %parallel_loop3A_16 = tpu.vector_load_idx %arg5[%parallel_loop3A_15] : memref<2048xf32, #tpu.memory_space<vmem>>[vector<16xi32>], vector<16xf32>,
      %parallel_loop3A_17 = arith.constant 128 : i32
      %parallel_loop3A_18 = arith.muli %parallel_loop3A_9, %parallel_loop3A_17 : i32
      %parallel_loop3A_19 = arith.constant 0 : i32
      %parallel_loop3A_20 = arith.addi %parallel_loop3A_18, %parallel_loop3A_19 : i32
      %parallel_loop3A_21 = arith.constant 0 : i32
      %parallel_loop3A_22 = arith.index_cast %parallel_loop3A_21 : i32 to index
      %parallel_loop3A_23 = arith.index_cast %parallel_loop3A_20 : i32 to index
      %parallel_loop3A_24 = tpu.vector_load %arg7[%parallel_loop3A_22, %parallel_loop3A_23] {strides = array<i32>} : memref<2x16384xf32, #tpu.memory_space<vmem>>, vector<16xf32>,
      tpu.vector_store %arg7[%parallel_loop3A_22, %parallel_loop3A_23], %parallel_loop3A_16 {strides = array<i32>} : memref<2x16384xf32, #tpu.memory_space<vmem>>, vector<16xf32>,
      %parallel_loop3A_25 = arith.constant 1024 : i32
      %parallel_loop3A_26 = vector.broadcast %parallel_loop3A_25 : i32 to vector<16xi32>
      %parallel_loop3A_27 = arith.addi %parallel_loop3A_12, %parallel_loop3A_26 : vector<16xi32>
      %parallel_loop3A_28 = tpu.vector_load_idx %arg5[%parallel_loop3A_27] : memref<2048xf32, #tpu.memory_space<vmem>>[vector<16xi32>], vector<16xf32>,
      %parallel_loop3A_29 = arith.constant 128 : i32
      %parallel_loop3A_30 = arith.muli %parallel_loop3A_9, %parallel_loop3A_29 : i32
      %parallel_loop3A_31 = arith.constant 0 : i32
      %parallel_loop3A_32 = arith.addi %parallel_loop3A_30, %parallel_loop3A_31 : i32
      %parallel_loop3A_33 = arith.constant 1 : i32
      %parallel_loop3A_34 = arith.index_cast %parallel_loop3A_33 : i32 to index
      %parallel_loop3A_35 = arith.index_cast %parallel_loop3A_32 : i32 to index
      %parallel_loop3A_36 = tpu.vector_load %arg7[%parallel_loop3A_34, %parallel_loop3A_35] {strides = array<i32>} : memref<2x16384xf32, #tpu.memory_space<vmem>>, vector<16xf32>,
      tpu.vector_store %arg7[%parallel_loop3A_34, %parallel_loop3A_35], %parallel_loop3A_28 {strides = array<i32>} : memref<2x16384xf32, #tpu.memory_space<vmem>>, vector<16xf32>,
      %parallel_loop3A_37 = arith.index_cast %parallel_loop3A_9 : i32 to index
      %parallel_loop3A_38 = arith.constant 16 : index
      %parallel_loop3A_39 = tpu.vector_load %arg6[%parallel_loop3A_37, %parallel_loop3A_38] {strides = array<i32>} : memref<128x128xi32, #tpu.memory_space<vmem>>, vector<16xi32>,
      %parallel_loop3A_40 = arith.constant 0 : i32
      %parallel_loop3A_41 = vector.broadcast %parallel_loop3A_40 : i32 to vector<16xi32>
      %parallel_loop3A_42 = arith.addi %parallel_loop3A_39, %parallel_loop3A_41 : vector<16xi32>
      %parallel_loop3A_43 = tpu.vector_load_idx %arg5[%parallel_loop3A_42] : memref<2048xf32, #tpu.memory_space<vmem>>[vector<16xi32>], vector<16xf32>,
      %parallel_loop3A_44 = arith.constant 128 : i32
      %parallel_loop3A_45 = arith.muli %parallel_loop3A_9, %parallel_loop3A_44 : i32
      %parallel_loop3A_46 = arith.constant 16 : i32
      %parallel_loop3A_47 = arith.addi %parallel_loop3A_45, %parallel_loop3A_46 : i32
      %parallel_loop3A_48 = arith.constant 0 : i32
      %parallel_loop3A_49 = arith.index_cast %parallel_loop3A_48 : i32 to index
      %parallel_loop3A_50 = arith.index_cast %parallel_loop3A_47 : i32 to index
      %parallel_loop3A_51 = tpu.vector_load %arg7[%parallel_loop3A_49, %parallel_loop3A_50] {strides = array<i32>} : memref<2x16384xf32, #tpu.memory_space<vmem>>, vector<16xf32>,
      tpu.vector_store %arg7[%parallel_loop3A_49, %parallel_loop3A_50], %parallel_loop3A_43 {strides = array<i32>} : memref<2x16384xf32, #tpu.memory_space<vmem>>, vector<16xf32>,
      %parallel_loop3A_52 = arith.constant 1024 : i32
      %parallel_loop3A_53 = vector.broadcast %parallel_loop3A_52 : i32 to vector<16xi32>
      %parallel_loop3A_54 = arith.addi %parallel_loop3A_39, %parallel_loop3A_53 : vector<16xi32>
      %parallel_loop3A_55 = tpu.vector_load_idx %arg5[%parallel_loop3A_54] : memref<2048xf32, #tpu.memory_space<vmem>>[vector<16xi32>], vector<16xf32>,
      %parallel_loop3A_56 = arith.constant 128 : i32
      %parallel_loop3A_57 = arith.muli %parallel_loop3A_9, %parallel_loop3A_56 : i32
      %parallel_loop3A_58 = arith.constant 16 : i32
      %parallel_loop3A_59 = arith.addi %parallel_loop3A_57, %parallel_loop3A_58 : i32
      %parallel_loop3A_60 = arith.constant 1 : i32
      %parallel_loop3A_61 = arith.index_cast %parallel_loop3A_60 : i32 to index
      %parallel_loop3A_62 = arith.index_cast %parallel_loop3A_59 : i32 to index
      %parallel_loop3A_63 = tpu.vector_load %arg7[%parallel_loop3A_61, %parallel_loop3A_62] {strides = array<i32>} : memref<2x16384xf32, #tpu.memory_space<vmem>>, vector<16xf32>,
      tpu.vector_store %arg7[%parallel_loop3A_61, %parallel_loop3A_62], %parallel_loop3A_55 {strides = array<i32>} : memref<2x16384xf32, #tpu.memory_space<vmem>>, vector<16xf32>,
      %parallel_loop3A_64 = arith.index_cast %parallel_loop3A_9 : i32 to index
      %parallel_loop3A_65 = arith.constant 32 : index
      %parallel_loop3A_66 = tpu.vector_load %arg6[%parallel_loop3A_64, %parallel_loop3A_65] {strides = array<i32>} : memref<128x128xi32, #tpu.memory_space<vmem>>, vector<16xi32>,
      %parallel_loop3A_67 = arith.constant 0 : i32
      %parallel_loop3A_68 = vector.broadcast %parallel_loop3A_67 : i32 to vector<16xi32>
      %parallel_loop3A_69 = arith.addi %parallel_loop3A_66, %parallel_loop3A_68 : vector<16xi32>
      %parallel_loop3A_70 = tpu.vector_load_idx %arg5[%parallel_loop3A_69] : memref<2048xf32, #tpu.memory_space<vmem>>[vector<16xi32>], vector<16xf32>,
      %parallel_loop3A_71 = arith.constant 128 : i32
      %parallel_loop3A_72 = arith.muli %parallel_loop3A_9, %parallel_loop3A_71 : i32
      %parallel_loop3A_73 = arith.constant 32 : i32
      %parallel_loop3A_74 = arith.addi %parallel_loop3A_72, %parallel_loop3A_73 : i32
      %parallel_loop3A_75 = arith.constant 0 : i32
      %parallel_loop3A_76 = arith.index_cast %parallel_loop3A_75 : i32 to index
      %parallel_loop3A_77 = arith.index_cast %parallel_loop3A_74 : i32 to index
      %parallel_loop3A_78 = tpu.vector_load %arg7[%parallel_loop3A_76, %parallel_loop3A_77] {strides = array<i32>} : memref<2x16384xf32, #tpu.memory_space<vmem>>, vector<16xf32>,
      tpu.vector_store %arg7[%parallel_loop3A_76, %parallel_loop3A_77], %parallel_loop3A_70 {strides = array<i32>} : memref<2x16384xf32, #tpu.memory_space<vmem>>, vector<16xf32>,
      %parallel_loop3A_79 = arith.constant 1024 : i32
      %parallel_loop3A_80 = vector.broadcast %parallel_loop3A_79 : i32 to vector<16xi32>
      %parallel_loop3A_81 = arith.addi %parallel_loop3A_66, %parallel_loop3A_80 : vector<16xi32>
      %parallel_loop3A_82 = tpu.vector_load_idx %arg5[%parallel_loop3A_81] : memref<2048xf32, #tpu.memory_space<vmem>>[vector<16xi32>], vector<16xf32>,
      %parallel_loop3A_83 = arith.constant 128 : i32
      %parallel_loop3A_84 = arith.muli %parallel_loop3A_9, %parallel_loop3A_83 : i32
      %parallel_loop3A_85 = arith.constant 32 : i32
      %parallel_loop3A_86 = arith.addi %parallel_loop3A_84, %parallel_loop3A_85 : i32
      %parallel_loop3A_87 = arith.constant 1 : i32
      %parallel_loop3A_88 = arith.index_cast %parallel_loop3A_87 : i32 to index
      %parallel_loop3A_89 = arith.index_cast %parallel_loop3A_86 : i32 to index
      %parallel_loop3A_90 = tpu.vector_load %arg7[%parallel_loop3A_88, %parallel_loop3A_89] {strides = array<i32>} : memref<2x16384xf32, #tpu.memory_space<vmem>>, vector<16xf32>,
      tpu.vector_store %arg7[%parallel_loop3A_88, %parallel_loop3A_89], %parallel_loop3A_82 {strides = array<i32>} : memref<2x16384xf32, #tpu.memory_space<vmem>>, vector<16xf32>,
      %parallel_loop3A_91 = arith.index_cast %parallel_loop3A_9 : i32 to index
      %parallel_loop3A_92 = arith.constant 48 : index
      %parallel_loop3A_93 = tpu.vector_load %arg6[%parallel_loop3A_91, %parallel_loop3A_92] {strides = array<i32>} : memref<128x128xi32, #tpu.memory_space<vmem>>, vector<16xi32>,
      %parallel_loop3A_94 = arith.constant 0 : i32
      %parallel_loop3A_95 = vector.broadcast %parallel_loop3A_94 : i32 to vector<16xi32>
      %parallel_loop3A_96 = arith.addi %parallel_loop3A_93, %parallel_loop3A_95 : vector<16xi32>
      %parallel_loop3A_97 = tpu.vector_load_idx %arg5[%parallel_loop3A_96] : memref<2048xf32, #tpu.memory_space<vmem>>[vector<16xi32>], vector<16xf32>,
      %parallel_loop3A_98 = arith.constant 128 : i32
      %parallel_loop3A_99 = arith.muli %parallel_loop3A_9, %parallel_loop3A_98 : i32
      %parallel_loop3A_100 = arith.constant 48 : i32
      %parallel_loop3A_101 = arith.addi %parallel_loop3A_99, %parallel_loop3A_100 : i32
      %parallel_loop3A_102 = arith.constant 0 : i32
      %parallel_loop3A_103 = arith.index_cast %parallel_loop3A_102 : i32 to index
      %parallel_loop3A_104 = arith.index_cast %parallel_loop3A_101 : i32 to index
      %parallel_loop3A_105 = tpu.vector_load %arg7[%parallel_loop3A_103, %parallel_loop3A_104] {strides = array<i32>} : memref<2x16384xf32, #tpu.memory_space<vmem>>, vector<16xf32>,
      tpu.vector_store %arg7[%parallel_loop3A_103, %parallel_loop3A_104], %parallel_loop3A_97 {strides = array<i32>} : memref<2x16384xf32, #tpu.memory_space<vmem>>, vector<16xf32>,
      %parallel_loop3A_106 = arith.constant 1024 : i32
      %parallel_loop3A_107 = vector.broadcast %parallel_loop3A_106 : i32 to vector<16xi32>
      %parallel_loop3A_108 = arith.addi %parallel_loop3A_93, %parallel_loop3A_107 : vector<16xi32>
      %parallel_loop3A_109 = tpu.vector_load_idx %arg5[%parallel_loop3A_108] : memref<2048xf32, #tpu.memory_space<vmem>>[vector<16xi32>], vector<16xf32>,
      %parallel_loop3A_110 = arith.constant 128 : i32
      %parallel_loop3A_111 = arith.muli %parallel_loop3A_9, %parallel_loop3A_110 : i32
      %parallel_loop3A_112 = arith.constant 48 : i32
      %parallel_loop3A_113 = arith.addi %parallel_loop3A_111, %parallel_loop3A_112 : i32
      %parallel_loop3A_114 = arith.constant 1 : i32
      %parallel_loop3A_115 = arith.index_cast %parallel_loop3A_114 : i32 to index
      %parallel_loop3A_116 = arith.index_cast %parallel_loop3A_113 : i32 to index
      %parallel_loop3A_117 = tpu.vector_load %arg7[%parallel_loop3A_115, %parallel_loop3A_116] {strides = array<i32>} : memref<2x16384xf32, #tpu.memory_space<vmem>>, vector<16xf32>,
      tpu.vector_store %arg7[%parallel_loop3A_115, %parallel_loop3A_116], %parallel_loop3A_109 {strides = array<i32>} : memref<2x16384xf32, #tpu.memory_space<vmem>>, vector<16xf32>,
      %parallel_loop3A_118 = arith.index_cast %parallel_loop3A_9 : i32 to index
      %parallel_loop3A_119 = arith.constant 64 : index
      %parallel_loop3A_120 = tpu.vector_load %arg6[%parallel_loop3A_118, %parallel_loop3A_119] {strides = array<i32>} : memref<128x128xi32, #tpu.memory_space<vmem>>, vector<16xi32>,
      %parallel_loop3A_121 = arith.constant 0 : i32
      %parallel_loop3A_122 = vector.broadcast %parallel_loop3A_121 : i32 to vector<16xi32>
      %parallel_loop3A_123 = arith.addi %parallel_loop3A_120, %parallel_loop3A_122 : vector<16xi32>
      %parallel_loop3A_124 = tpu.vector_load_idx %arg5[%parallel_loop3A_123] : memref<2048xf32, #tpu.memory_space<vmem>>[vector<16xi32>], vector<16xf32>,
      %parallel_loop3A_125 = arith.constant 128 : i32
      %parallel_loop3A_126 = arith.muli %parallel_loop3A_9, %parallel_loop3A_125 : i32
      %parallel_loop3A_127 = arith.constant 64 : i32
      %parallel_loop3A_128 = arith.addi %parallel_loop3A_126, %parallel_loop3A_127 : i32
      %parallel_loop3A_129 = arith.constant 0 : i32
      %parallel_loop3A_130 = arith.index_cast %parallel_loop3A_129 : i32 to index
      %parallel_loop3A_131 = arith.index_cast %parallel_loop3A_128 : i32 to index
      %parallel_loop3A_132 = tpu.vector_load %arg7[%parallel_loop3A_130, %parallel_loop3A_131] {strides = array<i32>} : memref<2x16384xf32, #tpu.memory_space<vmem>>, vector<16xf32>,
      tpu.vector_store %arg7[%parallel_loop3A_130, %parallel_loop3A_131], %parallel_loop3A_124 {strides = array<i32>} : memref<2x16384xf32, #tpu.memory_space<vmem>>, vector<16xf32>,
      %parallel_loop3A_133 = arith.constant 1024 : i32
      %parallel_loop3A_134 = vector.broadcast %parallel_loop3A_133 : i32 to vector<16xi32>
      %parallel_loop3A_135 = arith.addi %parallel_loop3A_120, %parallel_loop3A_134 : vector<16xi32>
      %parallel_loop3A_136 = tpu.vector_load_idx %arg5[%parallel_loop3A_135] : memref<2048xf32, #tpu.memory_space<vmem>>[vector<16xi32>], vector<16xf32>,
      %parallel_loop3A_137 = arith.constant 128 : i32
      %parallel_loop3A_138 = arith.muli %parallel_loop3A_9, %parallel_loop3A_137 : i32
      %parallel_loop3A_139 = arith.constant 64 : i32
      %parallel_loop3A_140 = arith.addi %parallel_loop3A_138, %parallel_loop3A_139 : i32
      %parallel_loop3A_141 = arith.constant 1 : i32
      %parallel_loop3A_142 = arith.index_cast %parallel_loop3A_141 : i32 to index
      %parallel_loop3A_143 = arith.index_cast %parallel_loop3A_140 : i32 to index
      %parallel_loop3A_144 = tpu.vector_load %arg7[%parallel_loop3A_142, %parallel_loop3A_143] {strides = array<i32>} : memref<2x16384xf32, #tpu.memory_space<vmem>>, vector<16xf32>,
      tpu.vector_store %arg7[%parallel_loop3A_142, %parallel_loop3A_143], %parallel_loop3A_136 {strides = array<i32>} : memref<2x16384xf32, #tpu.memory_space<vmem>>, vector<16xf32>,
      %parallel_loop3A_145 = arith.index_cast %parallel_loop3A_9 : i32 to index
      %parallel_loop3A_146 = arith.constant 80 : index
      %parallel_loop3A_147 = tpu.vector_load %arg6[%parallel_loop3A_145, %parallel_loop3A_146] {strides = array<i32>} : memref<128x128xi32, #tpu.memory_space<vmem>>, vector<16xi32>,
      %parallel_loop3A_148 = arith.constant 0 : i32
      %parallel_loop3A_149 = vector.broadcast %parallel_loop3A_148 : i32 to vector<16xi32>
      %parallel_loop3A_150 = arith.addi %parallel_loop3A_147, %parallel_loop3A_149 : vector<16xi32>
      %parallel_loop3A_151 = tpu.vector_load_idx %arg5[%parallel_loop3A_150] : memref<2048xf32, #tpu.memory_space<vmem>>[vector<16xi32>], vector<16xf32>,
      %parallel_loop3A_152 = arith.constant 128 : i32
      %parallel_loop3A_153 = arith.muli %parallel_loop3A_9, %parallel_loop3A_152 : i32
      %parallel_loop3A_154 = arith.constant 80 : i32
      %parallel_loop3A_155 = arith.addi %parallel_loop3A_153, %parallel_loop3A_154 : i32
      %parallel_loop3A_156 = arith.constant 0 : i32
      %parallel_loop3A_157 = arith.index_cast %parallel_loop3A_156 : i32 to index
      %parallel_loop3A_158 = arith.index_cast %parallel_loop3A_155 : i32 to index
      %parallel_loop3A_159 = tpu.vector_load %arg7[%parallel_loop3A_157, %parallel_loop3A_158] {strides = array<i32>} : memref<2x16384xf32, #tpu.memory_space<vmem>>, vector<16xf32>,
      tpu.vector_store %arg7[%parallel_loop3A_157, %parallel_loop3A_158], %parallel_loop3A_151 {strides = array<i32>} : memref<2x16384xf32, #tpu.memory_space<vmem>>, vector<16xf32>,
      %parallel_loop3A_160 = arith.constant 1024 : i32
      %parallel_loop3A_161 = vector.broadcast %parallel_loop3A_160 : i32 to vector<16xi32>
      %parallel_loop3A_162 = arith.addi %parallel_loop3A_147, %parallel_loop3A_161 : vector<16xi32>
      %parallel_loop3A_163 = tpu.vector_load_idx %arg5[%parallel_loop3A_162] : memref<2048xf32, #tpu.memory_space<vmem>>[vector<16xi32>], vector<16xf32>,
      %parallel_loop3A_164 = arith.constant 128 : i32
      %parallel_loop3A_165 = arith.muli %parallel_loop3A_9, %parallel_loop3A_164 : i32
      %parallel_loop3A_166 = arith.constant 80 : i32
      %parallel_loop3A_167 = arith.addi %parallel_loop3A_165, %parallel_loop3A_166 : i32
      %parallel_loop3A_168 = arith.constant 1 : i32
      %parallel_loop3A_169 = arith.index_cast %parallel_loop3A_168 : i32 to index
      %parallel_loop3A_170 = arith.index_cast %parallel_loop3A_167 : i32 to index
      %parallel_loop3A_171 = tpu.vector_load %arg7[%parallel_loop3A_169, %parallel_loop3A_170] {strides = array<i32>} : memref<2x16384xf32, #tpu.memory_space<vmem>>, vector<16xf32>,
      tpu.vector_store %arg7[%parallel_loop3A_169, %parallel_loop3A_170], %parallel_loop3A_163 {strides = array<i32>} : memref<2x16384xf32, #tpu.memory_space<vmem>>, vector<16xf32>,
      %parallel_loop3A_172 = arith.index_cast %parallel_loop3A_9 : i32 to index
      %parallel_loop3A_173 = arith.constant 96 : index
      %parallel_loop3A_174 = tpu.vector_load %arg6[%parallel_loop3A_172, %parallel_loop3A_173] {strides = array<i32>} : memref<128x128xi32, #tpu.memory_space<vmem>>, vector<16xi32>,
      %parallel_loop3A_175 = arith.constant 0 : i32
      %parallel_loop3A_176 = vector.broadcast %parallel_loop3A_175 : i32 to vector<16xi32>
      %parallel_loop3A_177 = arith.addi %parallel_loop3A_174, %parallel_loop3A_176 : vector<16xi32>
      %parallel_loop3A_178 = tpu.vector_load_idx %arg5[%parallel_loop3A_177] : memref<2048xf32, #tpu.memory_space<vmem>>[vector<16xi32>], vector<16xf32>,
      %parallel_loop3A_179 = arith.constant 128 : i32
      %parallel_loop3A_180 = arith.muli %parallel_loop3A_9, %parallel_loop3A_179 : i32
      %parallel_loop3A_181 = arith.constant 96 : i32
      %parallel_loop3A_182 = arith.addi %parallel_loop3A_180, %parallel_loop3A_181 : i32
      %parallel_loop3A_183 = arith.constant 0 : i32
      %parallel_loop3A_184 = arith.index_cast %parallel_loop3A_183 : i32 to index
      %parallel_loop3A_185 = arith.index_cast %parallel_loop3A_182 : i32 to index
      %parallel_loop3A_186 = tpu.vector_load %arg7[%parallel_loop3A_184, %parallel_loop3A_185] {strides = array<i32>} : memref<2x16384xf32, #tpu.memory_space<vmem>>, vector<16xf32>,
      tpu.vector_store %arg7[%parallel_loop3A_184, %parallel_loop3A_185], %parallel_loop3A_178 {strides = array<i32>} : memref<2x16384xf32, #tpu.memory_space<vmem>>, vector<16xf32>,
      %parallel_loop3A_187 = arith.constant 1024 : i32
      %parallel_loop3A_188 = vector.broadcast %parallel_loop3A_187 : i32 to vector<16xi32>
      %parallel_loop3A_189 = arith.addi %parallel_loop3A_174, %parallel_loop3A_188 : vector<16xi32>
      %parallel_loop3A_190 = tpu.vector_load_idx %arg5[%parallel_loop3A_189] : memref<2048xf32, #tpu.memory_space<vmem>>[vector<16xi32>], vector<16xf32>,
      %parallel_loop3A_191 = arith.constant 128 : i32
      %parallel_loop3A_192 = arith.muli %parallel_loop3A_9, %parallel_loop3A_191 : i32
      %parallel_loop3A_193 = arith.constant 96 : i32
      %parallel_loop3A_194 = arith.addi %parallel_loop3A_192, %parallel_loop3A_193 : i32
      %parallel_loop3A_195 = arith.constant 1 : i32
      %parallel_loop3A_196 = arith.index_cast %parallel_loop3A_195 : i32 to index
      %parallel_loop3A_197 = arith.index_cast %parallel_loop3A_194 : i32 to index
      %parallel_loop3A_198 = tpu.vector_load %arg7[%parallel_loop3A_196, %parallel_loop3A_197] {strides = array<i32>} : memref<2x16384xf32, #tpu.memory_space<vmem>>, vector<16xf32>,
      tpu.vector_store %arg7[%parallel_loop3A_196, %parallel_loop3A_197], %parallel_loop3A_190 {strides = array<i32>} : memref<2x16384xf32, #tpu.memory_space<vmem>>, vector<16xf32>,
      %parallel_loop3A_199 = arith.index_cast %parallel_loop3A_9 : i32 to index
      %parallel_loop3A_200 = arith.constant 112 : index
      %parallel_loop3A_201 = tpu.vector_load %arg6[%parallel_loop3A_199, %parallel_loop3A_200] {strides = array<i32>} : memref<128x128xi32, #tpu.memory_space<vmem>>, vector<16xi32>,
      %parallel_loop3A_202 = arith.constant 0 : i32
      %parallel_loop3A_203 = vector.broadcast %parallel_loop3A_202 : i32 to vector<16xi32>
      %parallel_loop3A_204 = arith.addi %parallel_loop3A_201, %parallel_loop3A_203 : vector<16xi32>
      %parallel_loop3A_205 = tpu.vector_load_idx %arg5[%parallel_loop3A_204] : memref<2048xf32, #tpu.memory_space<vmem>>[vector<16xi32>], vector<16xf32>,
      %parallel_loop3A_206 = arith.constant 128 : i32
      %parallel_loop3A_207 = arith.muli %parallel_loop3A_9, %parallel_loop3A_206 : i32
      %parallel_loop3A_208 = arith.constant 112 : i32
      %parallel_loop3A_209 = arith.addi %parallel_loop3A_207, %parallel_loop3A_208 : i32
      %parallel_loop3A_210 = arith.constant 0 : i32
      %parallel_loop3A_211 = arith.index_cast %parallel_loop3A_210 : i32 to index
      %parallel_loop3A_212 = arith.index_cast %parallel_loop3A_209 : i32 to index
      %parallel_loop3A_213 = tpu.vector_load %arg7[%parallel_loop3A_211, %parallel_loop3A_212] {strides = array<i32>} : memref<2x16384xf32, #tpu.memory_space<vmem>>, vector<16xf32>,
      tpu.vector_store %arg7[%parallel_loop3A_211, %parallel_loop3A_212], %parallel_loop3A_205 {strides = array<i32>} : memref<2x16384xf32, #tpu.memory_space<vmem>>, vector<16xf32>,
      %parallel_loop3A_214 = arith.constant 1024 : i32
      %parallel_loop3A_215 = vector.broadcast %parallel_loop3A_214 : i32 to vector<16xi32>
      %parallel_loop3A_216 = arith.addi %parallel_loop3A_201, %parallel_loop3A_215 : vector<16xi32>
      %parallel_loop3A_217 = tpu.vector_load_idx %arg5[%parallel_loop3A_216] : memref<2048xf32, #tpu.memory_space<vmem>>[vector<16xi32>], vector<16xf32>,
      %parallel_loop3A_218 = arith.constant 128 : i32
      %parallel_loop3A_219 = arith.muli %parallel_loop3A_9, %parallel_loop3A_218 : i32
      %parallel_loop3A_220 = arith.constant 112 : i32
      %parallel_loop3A_221 = arith.addi %parallel_loop3A_219, %parallel_loop3A_220 : i32
      %parallel_loop3A_222 = arith.constant 1 : i32
      %parallel_loop3A_223 = arith.index_cast %parallel_loop3A_222 : i32 to index
      %parallel_loop3A_224 = arith.index_cast %parallel_loop3A_221 : i32 to index
      %parallel_loop3A_225 = tpu.vector_load %arg7[%parallel_loop3A_223, %parallel_loop3A_224] {strides = array<i32>} : memref<2x16384xf32, #tpu.memory_space<vmem>>, vector<16xf32>,
      tpu.vector_store %arg7[%parallel_loop3A_223, %parallel_loop3A_224], %parallel_loop3A_217 {strides = array<i32>} : memref<2x16384xf32, #tpu.memory_space<vmem>>, vector<16xf32>,
    } {sc.loop_unroll_factor = 4 : i64, sc.parallel_access}
    "tpu.region"() ({
      %run_scoped3A = tpu.sem_alloc : memref<!tpu.dma_semaphore, #tpu.memory_space<semaphore_mem>>
      %dma_start3A = arith.constant 0 : i32
      %dma_start3A_9 = tpu.memref_slice %arg4[%mul3A_2, %dma_start3A] : memref<64x16384xf32, #tpu.memory_space<hbm>> -> memref<2x16384xf32, #tpu.memory_space<hbm>>
      %dma_start3A_10 = arith.constant 0 : i32
      %dma_start3A_11 = tpu.memref_slice %arg4[%mul3A_2, %dma_start3A_10] : memref<64x16384xf32, #tpu.memory_space<hbm>> -> memref<2x16384xf32, #tpu.memory_space<hbm>>
      tpu.enqueue_dma source(%arg7 : memref<2x16384xf32, #tpu.memory_space<vmem>>) target(%dma_start3A_11 : memref<2x16384xf32, #tpu.memory_space<hbm>>) target_semaphore(%run_scoped3A : memref<!tpu.dma_semaphore, #tpu.memory_space<semaphore_mem>>)
      %dma_wait3A = arith.constant 0 : i32
      %dma_wait3A_12 = tpu.memref_slice %arg4[%mul3A_2, %dma_wait3A] : memref<64x16384xf32, #tpu.memory_space<hbm>> -> memref<2x16384xf32, #tpu.memory_space<hbm>>
      %dma_wait3A_13 = arith.constant 0 : i32
      %dma_wait3A_14 = tpu.memref_slice %arg4[%mul3A_2, %dma_wait3A_13] : memref<64x16384xf32, #tpu.memory_space<hbm>> -> memref<2x16384xf32, #tpu.memory_space<hbm>>
      tpu.wait_dma2 semaphore(%run_scoped3A : memref<!tpu.dma_semaphore, #tpu.memory_space<semaphore_mem>>) src(%arg7 : memref<2x16384xf32, #tpu.memory_space<vmem>>) dst(%dma_wait3A_14 : memref<2x16384xf32, #tpu.memory_space<hbm>>)
      tpu.yield
    }) : () -> ()
    return
  }
}

module attributes {stable_mosaic.version = 14 : i64} {
  func.func @_vq_argmin_kernel(%arg0: i32, %arg1: memref<64x8192xf32, #tpu.memory_space<vmem>>, %arg2: memref<64x1024xf32, #tpu.memory_space<vmem>>, %arg3: memref<64x128xi32, #tpu.memory_space<vmem>>, %arg4: memref<1x1xf32, #tpu.memory_space<smem>>) attributes {dimension_semantics = [#tpu.dimension_semantics<arbitrary>], iteration_bounds = array<i64: 2>, scalar_prefetch = 0 : i64, scratch_operands = 0 : i64, tpu.core_type = #tpu.core_type<tc>, window_params = [{transform_indices = @transform_0, window_bounds = array<i64: 64, 8192>}, {pipeline_mode = #tpu.pipeline_mode<synchronous>, transform_indices = @transform_1, window_bounds = array<i64: 64, 1024>}, {transform_indices = @transform_2, window_bounds = array<i64: 64, 128>}, {transform_indices = @transform_3, window_bounds = array<i64: 1, 1>}]} {
    %get3A = arith.constant 0 : index
    %get3A_0 = arith.constant 0 : index
    %get3A_1 = vector.load %arg1[%get3A, %get3A_0] : memref<64x8192xf32, #tpu.memory_space<vmem>>, vector<64x8192xf32>
    %get3A_2 = arith.constant 0 : index
    %get3A_3 = arith.constant 0 : index
    %get3A_4 = vector.load %arg2[%get3A_2, %get3A_3] : memref<64x1024xf32, #tpu.memory_space<vmem>>, vector<64x1024xf32>
    %mul3A = arith.mulf %get3A_1, %get3A_1 : vector<64x8192xf32>
    %reduce_sum3A = arith.constant dense<0.000000e+00> : vector<8192xf32>
    %reduce_sum3A_5 = vector.multi_reduction <add>, %mul3A, %reduce_sum3A [0] : vector<64x8192xf32> to vector<8192xf32>
    %broadcast_in_dim3A = vector.shape_cast %reduce_sum3A_5 : vector<8192xf32> to vector<1x8192xf32>
    %mul3A_6 = arith.mulf %get3A_4, %get3A_4 : vector<64x1024xf32>
    %reduce_sum3A_7 = arith.constant dense<0.000000e+00> : vector<1024xf32>
    %reduce_sum3A_8 = vector.multi_reduction <add>, %mul3A_6, %reduce_sum3A_7 [0] : vector<64x1024xf32> to vector<1024xf32>
    %broadcast_in_dim3A_9 = vector.shape_cast %reduce_sum3A_8 : vector<1024xf32> to vector<1x1024xf32>
    %transpose3A = tpu.transpose %broadcast_in_dim3A_9, [1, 0] : vector<1x1024xf32> -> vector<1024x1xf32>
    %dot_general3A = arith.constant dense<0.000000e+00> : vector<1024x8192xf32>
    %dot_general3A_10 = tpu.matmul %get3A_4, %get3A_1, %dot_general3A {dimension_numbers = #tpu.dot_dimension_numbers<[0], [0], [1], [1], [0, 1, 1, 1], [], []>, transpose_lhs_hint = false} : vector<64x1024xf32>, vector<64x8192xf32>, vector<1024x8192xf32> -> vector<1024x8192xf32>
    %mul3A_11 = arith.constant 2.000000e+00 : f32
    %mul3A_12 = vector.broadcast %mul3A_11 : f32 to vector<1024x8192xf32>
    %mul3A_13 = arith.mulf %mul3A_12, %dot_general3A_10 : vector<1024x8192xf32>
    %slice3A = vector.extract_strided_slice %mul3A_13 {offsets = [0, 0], sizes = [128, 8192], strides = [1, 1]} : vector<1024x8192xf32> to vector<128x8192xf32>
    %slice3A_14 = vector.extract_strided_slice %transpose3A {offsets = [0, 0], sizes = [128, 1], strides = [1, 1]} : vector<1024x1xf32> to vector<128x1xf32>
    %add3A = vector.broadcast %broadcast_in_dim3A : vector<1x8192xf32> to vector<128x8192xf32>
    %add3A_15 = vector.broadcast %slice3A_14 : vector<128x1xf32> to vector<128x8192xf32>
    %add3A_16 = arith.addf %add3A, %add3A_15 : vector<128x8192xf32>
    %sub3A = arith.subf %add3A_16, %slice3A : vector<128x8192xf32>
    %broadcast_in_dim3A_17 = arith.constant 0 : i32
    %broadcast_in_dim3A_18 = vector.broadcast %broadcast_in_dim3A_17 : i32 to vector<128x8192xi32>
    %slice3A_19 = vector.extract_strided_slice %mul3A_13 {offsets = [128, 0], sizes = [128, 8192], strides = [1, 1]} : vector<1024x8192xf32> to vector<128x8192xf32>
    %slice3A_20 = vector.extract_strided_slice %transpose3A {offsets = [128, 0], sizes = [128, 1], strides = [1, 1]} : vector<1024x1xf32> to vector<128x1xf32>
    %add3A_21 = vector.broadcast %broadcast_in_dim3A : vector<1x8192xf32> to vector<128x8192xf32>
    %add3A_22 = vector.broadcast %slice3A_20 : vector<128x1xf32> to vector<128x8192xf32>
    %add3A_23 = arith.addf %add3A_21, %add3A_22 : vector<128x8192xf32>
    %sub3A_24 = arith.subf %add3A_23, %slice3A_19 : vector<128x8192xf32>
    %lt3A = arith.cmpf olt, %sub3A_24, %sub3A : vector<128x8192xf32>
    %select_n3A = arith.select %lt3A, %sub3A_24, %sub3A : vector<128x8192xi1>, vector<128x8192xf32>
    %jit3A = arith.constant 1 : i32
    %broadcast_in_dim3A_25 = vector.broadcast %jit3A : i32 to vector<128x8192xi32>
    %select_n3A_26 = arith.select %lt3A, %broadcast_in_dim3A_25, %broadcast_in_dim3A_18 : vector<128x8192xi1>, vector<128x8192xi32>
    %slice3A_27 = vector.extract_strided_slice %mul3A_13 {offsets = [256, 0], sizes = [128, 8192], strides = [1, 1]} : vector<1024x8192xf32> to vector<128x8192xf32>
    %slice3A_28 = vector.extract_strided_slice %transpose3A {offsets = [256, 0], sizes = [128, 1], strides = [1, 1]} : vector<1024x1xf32> to vector<128x1xf32>
    %add3A_29 = vector.broadcast %broadcast_in_dim3A : vector<1x8192xf32> to vector<128x8192xf32>
    %add3A_30 = vector.broadcast %slice3A_28 : vector<128x1xf32> to vector<128x8192xf32>
    %add3A_31 = arith.addf %add3A_29, %add3A_30 : vector<128x8192xf32>
    %sub3A_32 = arith.subf %add3A_31, %slice3A_27 : vector<128x8192xf32>
    %lt3A_33 = arith.cmpf olt, %sub3A_32, %select_n3A : vector<128x8192xf32>
    %select_n3A_34 = arith.select %lt3A_33, %sub3A_32, %select_n3A : vector<128x8192xi1>, vector<128x8192xf32>
    %jit3A_35 = arith.constant 2 : i32
    %broadcast_in_dim3A_36 = vector.broadcast %jit3A_35 : i32 to vector<128x8192xi32>
    %select_n3A_37 = arith.select %lt3A_33, %broadcast_in_dim3A_36, %select_n3A_26 : vector<128x8192xi1>, vector<128x8192xi32>
    %slice3A_38 = vector.extract_strided_slice %mul3A_13 {offsets = [384, 0], sizes = [128, 8192], strides = [1, 1]} : vector<1024x8192xf32> to vector<128x8192xf32>
    %slice3A_39 = vector.extract_strided_slice %transpose3A {offsets = [384, 0], sizes = [128, 1], strides = [1, 1]} : vector<1024x1xf32> to vector<128x1xf32>
    %add3A_40 = vector.broadcast %broadcast_in_dim3A : vector<1x8192xf32> to vector<128x8192xf32>
    %add3A_41 = vector.broadcast %slice3A_39 : vector<128x1xf32> to vector<128x8192xf32>
    %add3A_42 = arith.addf %add3A_40, %add3A_41 : vector<128x8192xf32>
    %sub3A_43 = arith.subf %add3A_42, %slice3A_38 : vector<128x8192xf32>
    %lt3A_44 = arith.cmpf olt, %sub3A_43, %select_n3A_34 : vector<128x8192xf32>
    %select_n3A_45 = arith.select %lt3A_44, %sub3A_43, %select_n3A_34 : vector<128x8192xi1>, vector<128x8192xf32>
    %jit3A_46 = arith.constant 3 : i32
    %broadcast_in_dim3A_47 = vector.broadcast %jit3A_46 : i32 to vector<128x8192xi32>
    %select_n3A_48 = arith.select %lt3A_44, %broadcast_in_dim3A_47, %select_n3A_37 : vector<128x8192xi1>, vector<128x8192xi32>
    %slice3A_49 = vector.extract_strided_slice %mul3A_13 {offsets = [512, 0], sizes = [128, 8192], strides = [1, 1]} : vector<1024x8192xf32> to vector<128x8192xf32>
    %slice3A_50 = vector.extract_strided_slice %transpose3A {offsets = [512, 0], sizes = [128, 1], strides = [1, 1]} : vector<1024x1xf32> to vector<128x1xf32>
    %add3A_51 = vector.broadcast %broadcast_in_dim3A : vector<1x8192xf32> to vector<128x8192xf32>
    %add3A_52 = vector.broadcast %slice3A_50 : vector<128x1xf32> to vector<128x8192xf32>
    %add3A_53 = arith.addf %add3A_51, %add3A_52 : vector<128x8192xf32>
    %sub3A_54 = arith.subf %add3A_53, %slice3A_49 : vector<128x8192xf32>
    %lt3A_55 = arith.cmpf olt, %sub3A_54, %select_n3A_45 : vector<128x8192xf32>
    %select_n3A_56 = arith.select %lt3A_55, %sub3A_54, %select_n3A_45 : vector<128x8192xi1>, vector<128x8192xf32>
    %jit3A_57 = arith.constant 4 : i32
    %broadcast_in_dim3A_58 = vector.broadcast %jit3A_57 : i32 to vector<128x8192xi32>
    %select_n3A_59 = arith.select %lt3A_55, %broadcast_in_dim3A_58, %select_n3A_48 : vector<128x8192xi1>, vector<128x8192xi32>
    %slice3A_60 = vector.extract_strided_slice %mul3A_13 {offsets = [640, 0], sizes = [128, 8192], strides = [1, 1]} : vector<1024x8192xf32> to vector<128x8192xf32>
    %slice3A_61 = vector.extract_strided_slice %transpose3A {offsets = [640, 0], sizes = [128, 1], strides = [1, 1]} : vector<1024x1xf32> to vector<128x1xf32>
    %add3A_62 = vector.broadcast %broadcast_in_dim3A : vector<1x8192xf32> to vector<128x8192xf32>
    %add3A_63 = vector.broadcast %slice3A_61 : vector<128x1xf32> to vector<128x8192xf32>
    %add3A_64 = arith.addf %add3A_62, %add3A_63 : vector<128x8192xf32>
    %sub3A_65 = arith.subf %add3A_64, %slice3A_60 : vector<128x8192xf32>
    %lt3A_66 = arith.cmpf olt, %sub3A_65, %select_n3A_56 : vector<128x8192xf32>
    %select_n3A_67 = arith.select %lt3A_66, %sub3A_65, %select_n3A_56 : vector<128x8192xi1>, vector<128x8192xf32>
    %jit3A_68 = arith.constant 5 : i32
    %broadcast_in_dim3A_69 = vector.broadcast %jit3A_68 : i32 to vector<128x8192xi32>
    %select_n3A_70 = arith.select %lt3A_66, %broadcast_in_dim3A_69, %select_n3A_59 : vector<128x8192xi1>, vector<128x8192xi32>
    %slice3A_71 = vector.extract_strided_slice %mul3A_13 {offsets = [768, 0], sizes = [128, 8192], strides = [1, 1]} : vector<1024x8192xf32> to vector<128x8192xf32>
    %slice3A_72 = vector.extract_strided_slice %transpose3A {offsets = [768, 0], sizes = [128, 1], strides = [1, 1]} : vector<1024x1xf32> to vector<128x1xf32>
    %add3A_73 = vector.broadcast %broadcast_in_dim3A : vector<1x8192xf32> to vector<128x8192xf32>
    %add3A_74 = vector.broadcast %slice3A_72 : vector<128x1xf32> to vector<128x8192xf32>
    %add3A_75 = arith.addf %add3A_73, %add3A_74 : vector<128x8192xf32>
    %sub3A_76 = arith.subf %add3A_75, %slice3A_71 : vector<128x8192xf32>
    %lt3A_77 = arith.cmpf olt, %sub3A_76, %select_n3A_67 : vector<128x8192xf32>
    %select_n3A_78 = arith.select %lt3A_77, %sub3A_76, %select_n3A_67 : vector<128x8192xi1>, vector<128x8192xf32>
    %jit3A_79 = arith.constant 6 : i32
    %broadcast_in_dim3A_80 = vector.broadcast %jit3A_79 : i32 to vector<128x8192xi32>
    %select_n3A_81 = arith.select %lt3A_77, %broadcast_in_dim3A_80, %select_n3A_70 : vector<128x8192xi1>, vector<128x8192xi32>
    %slice3A_82 = vector.extract_strided_slice %mul3A_13 {offsets = [896, 0], sizes = [128, 8192], strides = [1, 1]} : vector<1024x8192xf32> to vector<128x8192xf32>
    %slice3A_83 = vector.extract_strided_slice %transpose3A {offsets = [896, 0], sizes = [128, 1], strides = [1, 1]} : vector<1024x1xf32> to vector<128x1xf32>
    %add3A_84 = vector.broadcast %broadcast_in_dim3A : vector<1x8192xf32> to vector<128x8192xf32>
    %add3A_85 = vector.broadcast %slice3A_83 : vector<128x1xf32> to vector<128x8192xf32>
    %add3A_86 = arith.addf %add3A_84, %add3A_85 : vector<128x8192xf32>
    %sub3A_87 = arith.subf %add3A_86, %slice3A_82 : vector<128x8192xf32>
    %lt3A_88 = arith.cmpf olt, %sub3A_87, %select_n3A_78 : vector<128x8192xf32>
    %select_n3A_89 = arith.select %lt3A_88, %sub3A_87, %select_n3A_78 : vector<128x8192xi1>, vector<128x8192xf32>
    %jit3A_90 = arith.constant 7 : i32
    %broadcast_in_dim3A_91 = vector.broadcast %jit3A_90 : i32 to vector<128x8192xi32>
    %select_n3A_92 = arith.select %lt3A_88, %broadcast_in_dim3A_91, %select_n3A_81 : vector<128x8192xi1>, vector<128x8192xi32>
    %reduce_min3A = arith.constant dense<0x7F800000> : vector<8192xf32>
    %reduce_min3A_93 = vector.multi_reduction <minimumf>, %select_n3A_89, %reduce_min3A [0] : vector<128x8192xf32> to vector<8192xf32>
    %broadcast_in_dim3A_94 = vector.shape_cast %reduce_min3A_93 : vector<8192xf32> to vector<1x8192xf32>
    %iota3A = tpu.iota {dimensions = array<i32: 0>} : vector<128x8192xi32>
    %mul3A_95 = arith.constant 128 : i32
    %mul3A_96 = vector.broadcast %mul3A_95 : i32 to vector<128x8192xi32>
    %mul3A_97 = arith.muli %select_n3A_92, %mul3A_96 : vector<128x8192xi32>
    %add3A_98 = arith.addi %mul3A_97, %iota3A : vector<128x8192xi32>
    %eq3A = vector.broadcast %broadcast_in_dim3A_94 : vector<1x8192xf32> to vector<128x8192xf32>
    %eq3A_99 = arith.cmpf oeq, %select_n3A_89, %eq3A : vector<128x8192xf32>
    %jit3A_100 = arith.constant 1024 : i32
    %broadcast_in_dim3A_101 = vector.broadcast %jit3A_100 : i32 to vector<128x8192xi32>
    %select_n3A_102 = arith.select %eq3A_99, %add3A_98, %broadcast_in_dim3A_101 : vector<128x8192xi1>, vector<128x8192xi32>
    %reduce_min3A_103 = arith.constant dense<2147483647> : vector<8192xi32>
    %reduce_min3A_104 = vector.multi_reduction <minsi>, %select_n3A_102, %reduce_min3A_103 [0] : vector<128x8192xi32> to vector<8192xi32>
    %reshape3A = vector.shape_cast %reduce_min3A_104 : vector<8192xi32> to vector<64x128xi32>
    %swap3A = arith.constant 0 : index
    %swap3A_105 = arith.constant 0 : index
    %swap3A_106 = vector.load %arg3[%swap3A, %swap3A_105] : memref<64x128xi32, #tpu.memory_space<vmem>>, vector<64x128xi32>
    tpu.vector_store %arg3[%swap3A, %swap3A_105], %reshape3A {strides = array<i32>} : memref<64x128xi32, #tpu.memory_space<vmem>>, vector<64x128xi32>,
    %eq3A_107 = arith.constant 0 : i32
    %eq3A_108 = arith.cmpi eq, %arg0, %eq3A_107 : i32
    %convert_element_type3A = arith.extui %eq3A_108 : i1 to i32
    %cond3A = arith.constant 0 : i32
    %cond3A_109 = arith.cmpi ne, %convert_element_type3A, %cond3A : i32
    scf.if %cond3A_109 {
      %swap3A_122 = arith.constant 0.000000e+00 : f32
      %swap3A_123 = arith.constant 0 : index
      %swap3A_124 = arith.constant 0 : index
      %swap3A_125 = memref.load %arg4[%swap3A_123, %swap3A_124] : memref<1x1xf32, #tpu.memory_space<smem>>
      memref.store %swap3A_122, %arg4[%swap3A_123, %swap3A_124] : memref<1x1xf32, #tpu.memory_space<smem>>
    } else {
    }
    %get3A_110 = arith.constant 0 : index
    %get3A_111 = arith.constant 0 : index
    %get3A_112 = memref.load %arg4[%get3A_110, %get3A_111] : memref<1x1xf32, #tpu.memory_space<smem>>
    %reduce_sum3A_113 = vector.shape_cast %broadcast_in_dim3A_94 : vector<1x8192xf32> to vector<1x1x8192xf32>
    %reduce_sum3A_114 = arith.constant dense<0.000000e+00> : vector<1xf32>
    %reduce_sum3A_115 = vector.multi_reduction <add>, %reduce_sum3A_113, %reduce_sum3A_114 [1, 2] : vector<1x1x8192xf32> to vector<1xf32>
    %reduce_sum3A_116 = vector.shape_cast %reduce_sum3A_115 : vector<1xf32> to vector<1x1x1xf32>
    %reduce_sum3A_117 = vector.extract %reduce_sum3A_116[0, 0, 0] : f32 from vector<1x1x1xf32>
    %add3A_118 = arith.addf %get3A_112, %reduce_sum3A_117 : f32
    %swap3A_119 = arith.constant 0 : index
    %swap3A_120 = arith.constant 0 : index
    %swap3A_121 = memref.load %arg4[%swap3A_119, %swap3A_120] : memref<1x1xf32, #tpu.memory_space<smem>>
    memref.store %add3A_118, %arg4[%swap3A_119, %swap3A_120] : memref<1x1xf32, #tpu.memory_space<smem>>
    return
  }
  func.func @transform_0(%arg0: i32) -> (i32, i32) {
    %c0_i32 = arith.constant 0 : i32
    %c0_i32_0 = arith.constant 0 : i32
    return %c0_i32, %arg0 : i32, i32
  }
  func.func @transform_1(%arg0: i32) -> (i32, i32) {
    %c0_i32 = arith.constant 0 : i32
    %c0_i32_0 = arith.constant 0 : i32
    %c0_i32_1 = arith.constant 0 : i32
    return %c0_i32, %c0_i32_0 : i32, i32
  }
  func.func @transform_2(%arg0: i32) -> (i32, i32) {
    %c0_i32 = arith.constant 0 : i32
    %c0_i32_0 = arith.constant 0 : i32
    return %arg0, %c0_i32 : i32, i32
  }
  func.func @transform_3(%arg0: i32) -> (i32, i32) {
    %c0_i32 = arith.constant 0 : i32
    %c0_i32_0 = arith.constant 0 : i32
    %c0_i32_1 = arith.constant 0 : i32
    return %c0_i32, %c0_i32_0 : i32, i32
  }
}

</mosaic_0001>

<sc_bundles>
// kernel: kernel.4.cloned.1.call-start
scs
__scs_entry_jumppad:
0x0: {  	(pc) =	sbr.rel $0x88, $3  }
0x1: {  	(tag) =	ssettag $0x0;
	lr =	simm.s32 $0x1  }
0x2: {  	[smem:$0x3F9F] =	sst lr;
	_ =	strace $0xD0000000  }
0x3: {  	_ = 	snop  }
0x4: {  	_ = 	snop  }
0x5: {  	_ = 	snop  }
0x6: {  	_ = 	snop  }
0x7: {  	_ = 	snop  }
__scs_overlays_trampoline_lowered:
0x8: {  	[smem:$0x3FAE] =	sst s0  }
0x9: {  	[smem:$0x3FAF] =	sst s1  }
0xa: {  	[smem:$0x3FB0] =	sst s2  }
0xb: {  	[smem:$0x3FB1] =	sst s3  }
0xc: {  	[smem:$0x3FB2] =	sst s4  }
0xd: {  	[smem:$0x3FB3] =	sst s5  }
0xe: {  	[smem:$0x3FB4] =	sst s6  }
0xf: {  	[smem:$0x3FB5] =	sst s7  }
0x10: {  	[smem:$0x3FB6] =	sst s8  }
0x11: {  	[smem:$0x3FB7] =	sst s9;
	s0 =	simm.s32 @!p0 $0x0  }
0x12: {  	s1 =	sld [smem:$0x3F9D];
	s0 =	simm.s32 @p0 $0x1  }
0x13: {  	[smem:$0x3FB8] =	sst s0;
	s0 =	simm.s32 @!p1 $0x0  }
0x14: {  	s2 =	sld [smem:$0x3F9C];
	s0 =	simm.s32 @p1 $0x1  }
0x15: {  	[smem:$0x3FB9] =	sst s0;
	s0 =	simm.s32 @!p2 $0x0  }
0x16: {  	s3 =	sld [smem:$0x3FDB];
	s0 =	simm.s32 @p2 $0x1  }
0x17: {  	s4 =	simm.s32 $0x1BF5;
	[smem:$0x3FBB] =	sst s0  }
0x18: {  	s0 =	sld [smem:$0x3F9E];
	_ =	swait.ge [sflag:s4], $0x0  }
0x19: {  	s7 =	sld [smem:$0x3F9F]  }
0x1a: {  	s8 =	sadd.s32 $0xFFFFE003, lr  }
0x1b: {  	s9 =	sadd.s32 $0xFFFFFEF7, lr;
	s5 =	simm.s32 $0xFFFFFFFF;
	p2 =	slt.u32 s8, $0xFFFFF086  }
0x1c: {  	p1 =	slt.u32 s9, $0xF7A;
	s5 =	simm.s32 @!p2 $0x0  }
0x1d: {  	s5 =	simm.s32 @p1 $0x1;
	p0 =	seq.s32 s7, s2  }
0x1e: {  	s7 =	smul.u32 @!p0 $0xF7A, s2;
	p2 =	seq.s32 @!p0 s5, $0x0  }
0x1f: {  	s9 =	smul.u32 $0xF7A, s1;
	s8 =	simm.s32 @!p0 $0x1BF5;
	p2 =	por !p2, p0  }
0x20: {  	[sflag:s8] =	ssyncset.s32 @!p0 $0xFFFFF086;
	s6 =	sadd.s32 @!p0 s3, s7;
	s7 =	simm.s32 @!p0 $0x108  }
0x21: {  	s3 =	sadd.s32 s3, s9;
	s6 =	sadd.s32 @!p0 $0x88, s6;
	s7 =	simm.s32 @p2 $0x1082  }
0x22: {  	[simem:s7], [sflag:s8] =	dma.local @!p0 [hbm:s6], $0xF7A  }
0x23: {  	s9 =	sor.u32 $0xD0000000, s2;
	s6 =	simm.s32 $0x108;
	_ =	swait.ge @!p0 [sflag:s8], $0x0  }
0x24: {  	s3 =	sadd.s32 $0x88, s3;
	s6 =	simm.s32 @!p1 $0x1082;
	[sflag:s4] =	ssyncset.s32 $0xFFFFF086  }
0x25: {  	[simem:s6], [sflag:s4] =	dma.local [hbm:s3], $0xF7A  }
0x26: {  	[smem:$0x3F9F] =	sst s1;
	(tag) =	ssettag s2;
	_ =	strace s9  }
0x27: {  	s1 =	sld [smem:$0x3FAF]  }
0x28: {  	s2 =	sld [smem:$0x3FB0]  }
0x29: {  	s4 =	sld [smem:$0x3FB2]  }
0x2a: {  	p0 =	seq.s32 s5, $0x0;
	s5 =	sld [smem:$0x3FB3]  }
0x2b: {  	s6 =	sld [smem:$0x3FB4]  }
0x2c: {  	s7 =	sld [smem:$0x3FB5]  }
0x2d: {  	s3 =	simm.s32 $0x108;
	s8 =	sld [smem:$0x3FB6]  }
0x2e: {  	s3 =	simm.s32 @!p0 $0x1082;
	s9 =	sld [smem:$0x3FB7]  }
0x2f: {  	lr =	sadd.s32 s0, s3;
	s0 =	sld [smem:$0x3FAE]  }
0x30: {  	s3 =	sld [smem:$0x3FB1]  }
0x31: {  	[smem:$0x3FBA] =	sst s10  }
0x32: {  	s10 =	sld [smem:$0x3FB8];
	_ =	sdelay $0x3  }
0x33: {  	p0 =	seq.s32 s10, $0x1;
	s10 =	sld [smem:$0x3FBA];
	_ =	sdelay $0x3  }
0x34: {  	[smem:$0x3FBA] =	sst s10  }
0x35: {  	s10 =	sld [smem:$0x3FB9];
	_ =	sdelay $0x3  }
0x36: {  	p1 =	seq.s32 s10, $0x1;
	s10 =	sld [smem:$0x3FBA];
	_ =	sdelay $0x3  }
0x37: {  	[smem:$0x3FBA] =	sst s10  }
0x38: {  	s10 =	sld [smem:$0x3FBB]  }
0x39: {  	_ = 	snop;
	(pc) =	sbr.ind lr, $3  }
0x3a: {  	_ = 	snop  }
0x3b: {  	_ = 	snop  }
0x3c: {  	p2 =	seq.s32 s10, $0x1;
	s10 =	sld [smem:$0x3FBA]  }
0x3d: {  	_ =	shalt  }
0x3e: {  	_ =	shalt  }
0x3f: {  	_ =	shalt  }
0x40: {  	_ =	shalt  }
0x41: {  	_ =	shalt  }
0x42: {  	_ =	shalt  }
0x43: {  	_ =	shalt  }
0x44: {  	_ =	shalt  }
0x45: {  	_ =	shalt  }
0x46: {  	_ =	shalt  }
0x47: {  	_ =	shalt  }
0x48: {  	_ =	shalt  }
0x49: {  	_ =	shalt  }
0x4a: {  	_ =	shalt  }
0x4b: {  	_ =	shalt  }
0x4c: {  	_ =	shalt  }
0x4d: {  	_ =	shalt  }
0x4e: {  	_ =	shalt  }
0x4f: {  	_ =	shalt  }
0x50: {  	_ =	shalt  }
0x51: {  	_ =	shalt  }
0x52: {  	_ =	shalt  }
0x53: {  	_ =	shalt  }
0x54: {  	_ =	shalt  }
0x55: {  	_ =	shalt  }
0x56: {  	_ =	shalt  }
0x57: {  	_ =	shalt  }
0x58: {  	_ =	shalt  }
0x59: {  	_ =	shalt  }
0x5a: {  	_ =	shalt  }
0x5b: {  	_ =	shalt  }
0x5c: {  	_ =	shalt  }
0x5d: {  	_ =	shalt  }
0x5e: {  	_ =	shalt  }
0x5f: {  	_ =	shalt  }
0x60: {  	_ =	shalt  }
0x61: {  	_ =	shalt  }
0x62: {  	_ =	shalt  }
0x63: {  	_ =	shalt  }
0x64: {  	_ =	shalt  }
0x65: {  	_ =	shalt  }
0x66: {  	_ =	shalt  }
0x67: {  	_ =	shalt  }
0x68: {  	_ =	shalt  }
0x69: {  	_ =	shalt  }
0x6a: {  	_ =	shalt  }
0x6b: {  	_ =	shalt  }
0x6c: {  	_ =	shalt  }
0x6d: {  	_ =	shalt  }
0x6e: {  	_ =	shalt  }
0x6f: {  	_ =	shalt  }
0x70: {  	_ =	shalt  }
0x71: {  	_ =	shalt  }
0x72: {  	_ =	shalt  }
0x73: {  	_ =	shalt  }
0x74: {  	_ =	shalt  }
0x75: {  	_ =	shalt  }
0x76: {  	_ =	shalt  }
0x77: {  	_ =	shalt  }
0x78: {  	_ =	shalt  }
0x79: {  	_ =	shalt  }
0x7a: {  	_ =	shalt  }
0x7b: {  	_ =	shalt  }
0x7c: {  	_ =	shalt  }
0x7d: {  	_ =	shalt  }
0x7e: {  	_ =	shalt  }
0x7f: {  	_ =	shalt  }
0x80: {  	_ =	shalt  }
0x81: {  	_ =	shalt  }
0x82: {  	_ =	shalt  }
0x83: {  	_ =	shalt  }
0x84: {  	_ =	shalt  }
0x85: {  	_ =	shalt  }
0x86: {  	_ =	shalt  }
0x87: {  	_ =	shalt  }
.Lfunc_end0:
.L_simem_size_0:
called_computation_lowered:
.L_overlay_start_0:
0x88: {  	s2 =	sld [smem:$0x3FD9]  }
0x89: {  	s3 =	sld [smem:$0x3FFE];
	_ =	sdelay $0x1  }
0x8a: {  	s1 =	srdreg.scid  }
0x8b: {  	s0 =	sand.u32 $0x1, s1  }
0x8c: {  	s14 =	sshll.u32 s0, $0xA;
	s2 =	sadd.s32 s3, s2  }
0x8d: {  	s2 =	sadd.s32 s2, s14  }
0x8e: {  	[smem:$0x3FC6] =	sst s2  }
0x8f: {  	_ = 	snop  }
0x90: {  	s2 =	sld [smem:$0x3FD0];
	_ =	sdelay $0x2  }
0x91: {  	s4 =	simm.s32 $0xA;
	s5 =	simm.s32 $0x10;
	s15 =	sld [smem:$0x3FC8]  }
0x92: {  	[smem:s5], [sflag:s4] =	dma.local [hbm:s2], $0x1  }
0x93: {  	_ =	swait.eq [sflag:s4], $0x1  }
0x94: {  	[sflag:s4] =	ssyncset.done $0x0  }
0x95: {  	[sflag:s4] =	ssyncadd.s32 $0xFFFFFFFF  }
0x96: {  	s16 =	sld [smem:$0x10];
	(tm) =	ssettm $0x1  }
0x97: {  	s17 =	sld [smem:$0x3FFB];
	_ =	sdelay $0x3  }
0x98: {  	_ =	strace s17  }
0x99: {  	s4 =	sld [smem:$0x3FFC];
	_ =	sdelay $0x3  }
0x9a: {  	_ =	strace s4  }
0x9b: {  	s4 =	sld [smem:$0x3FFD];
	_ =	sdelay $0x3  }
0x9c: {  	_ =	strace s4  }
0x9d: {  	_ =	strace $0x8FFFFFFF  }
0x9e: {  	s18 =	sld [smem:$0x3FDB];
	_ =	sdelay $0x1  }
0x9f: {  	s19 =	simm.s32 $_scs_section_size  }
0xa0: {  	s6 =	simm.s32 $_size__tile_overlayer_lowered;
	s7 =	simm.s32 $_tile_overlayer_lowered  }
0xa1: {  	s22 =	simm.s32 $0x1BFF;
	s21 =	sshll.u32 s7, $0x1;
	s4 =	sadd.s32 s19, s18  }
0xa2: {  	s8 =	simm.s32 $0x0;
	s20 =	sshll.u32 s6, $0x1;
	s6 =	sadd.s32 s21, s4  }
0xa3: {  	[timem:s8], [sflag:s22] =	dma.local [hbm:s6], s20  }
0xa4: {  	_ =	swait.ge [sflag:s22], s20  }
0xa5: {  	s5 =	ssub.s32 $0x0, s20;
	[sflag:s22] =	ssyncset.done $0x0  }
0xa6: {  	[sflag:s22] =	ssyncadd.s32 s5;
	_ =	sdelay $0x1  }
0xa7: {  	s23 =	simm.s32 $0x1B8B  }
0xa8: {  	_ =	swait.ge [sflag:s23], $0x1  }
0xa9: {  	[sflag:s23] =	ssyncset.done $0x0  }
0xaa: {  	s25 =	simm.s32 $0x1B8E;
	s24 =	sld [smem:$0x3FFE];
	[sflag:s23] =	ssyncadd.s32 $0xFFFFFFFF  }
0xab: {  	s26 =	simm.s32 $execute0_lowered;
	[smem:$0x3FD2] =	sst s25  }
0xac: {  	s6 =	sshll.u32 s26, $0x1;
	_ =	strace $0x80000046;
	[dreg:$0x1] =	wrdreg $0xFFFFFFFF  }
0xad: {  	s28 =	simm.s32 $_size_execute0_lowered;
	s4 =	sadd.s32 s4, s6;
	[dreg:$0x0] =	wrdreg $0x0  }
0xae: {  	s6 =	sshll.u32 s28, $0x1;
	[dreg:$0x2] =	wrdreg s4  }
0xaf: {  	[dreg:$0x3] =	wrdreg s6  }
0xb0: {  	[dreg:$0x4] =	wrdreg $0xC0  }
0xb1: {  	_ =	task [dreg:s8], $0x5FFFF  }
0xb2: {  	[dreg:$0x1] =	wrdreg $0xFFFFFFFF  }
0xb3: {  	[dreg:$0x0] =	wrdreg $0x60  }
0xb4: {  	[dreg:$0x2] =	wrdreg s15  }
0xb5: {  	[dreg:$0x3] =	wrdreg s24  }
0xb6: {  	[dreg:$0x4] =	wrdreg s16  }
0xb7: {  	[dreg:$0x5] =	wrdreg $0x9  }
0xb8: {  	_ =	task.clear_ibuf [dreg:s8], $0x6FFFF;
	_ =	strace $0x90000046  }
0xb9: {  	s29 =	simm.s32 $0x9;
	_ =	strace $0x80000048  }
0xba: {  	_ =	swait.ge [sflag:s29], $0x1  }
0xbb: {  	[sflag:s29] =	ssyncadd.s32 $0xFFFFFFFF  }
0xbc: {  	_ =	strace $0x90000048  }
0xbd: {  	_ =	sfence  }
0xbe: {  	s30 =	sld [smem:$0x0];
	_ =	sdelay $0x2  }
0xbf: {  	s31 =	sshll.u32 s1, $0xD;
	s1 =	sshrl.u32 s1, $0x2  }
0xc0: {  	s3 =	sand.u32 $0x4000, s31;
	s1 =	sadd.s32 s1, s30  }
0xc1: {  	s0 =	sor.u32 s3, s0;
	s1 =	sshll.u32 s1, $0x11  }
0xc2: {  	s0 =	sor.u32 s1, s0  }
0xc3: {  	s0 =	sadd.s32 $0x8F2B, s0  }
0xc4: {  	[sflag:s0] =	ssyncadd.remote.s32 $0x1  }
0xc5: {  	_ =	sfence.sel $0xFFFF  }
0xc6: {  	[dreg:$0x0] =	wrdreg $0xFFFFFFFF;
	(pc) =	sbr.abs _section_cstart, $3  }
0xc7: {  	[dreg:$0x1] =	wrdreg $0xFFFFFFFF  }
0xc8: {  	_ =	task.clear_ibuf [dreg:s8], $0x2FFFF;
	_ =	strace $0x9FFFFFFF  }
0xc9: {  	(tm) =	ssettm $0x7FFFFFFF  }
tec
execute0_lowered:
.L_overlay_start_1:
0x0: {  	(tag) =	ssettag $0x1  }
0x1: {  	s4 =	rddreg [dreg:$0x0]  }
0x2: {  	s3 =	rddreg [dreg:$0x1]  }
0x3: {  	s6 =	rddreg [dreg:$0x2]  }
0x4: {  	s0 =	rddreg [dreg:$0x3];
	s1 =	simm.s32 $0x0  }
0x5: {  	s2 =	srdreg.scid;
	s12 =	simm.s32 $0x100;
	s13 =	simm.s32 $0x4800  }
0x6: {  	s14 =	simm.s32 $0x0;
	[smem:$0x7FF] =	sst s1;
	s5 =	sand.u32 $0x1, s2  }
0x7: {  	s2 =	stileid.u32;
	s3 =	sadd.s32 $0xC00, s3;
	_ =	strace $0x80000047  }
0x8: {  	s7 =	ssub.s32 $0x2, s5;
	s9 =	sshll.u32 s2, $0x9;
	s10 =	sshll.u32 s2, $0xC  }
0x9: {  	s5 =	sshll.u32 s5, $0x8;
	s11 =	sshrl.u32 s2, $0x1;
	s8 =	sshrl.u32 s7, $0x1  }
0xa: {  	s9 =	sand.u32 $0x200, s9;
	s28 =	sand.u32 $0xE000, s10;
	s29 =	sshll.u32 s11, $0xD  }
0xb: {  	s30 =	sshll.u32 s11, $0x11;
	s11 =	simm.s32 $0x800;
	s5 =	sor.u32 s5, s9  }
0xc: {  	s7 =	ssub.s32 s7, s8;
	s9 =	sor.u32 s5, s28;
	s8 =	sor.u32 s29, s5  }
0xd: {  	s10 =	sor.u32 s30, s5;
	s7 =	smax.u32 s7, $0x1;
	s9 =	sshrl.u32 s9, $0x3  }
0xe: {  	s8 =	sshrl.u32 s8, $0x3;
	s31 =	sshrl.u32 s10, $0x3;
	s10 =	simm.s32 $0x1  }
0xf: {  	s9 =	sadd.s32 s9, s4;
	s4 =	sadd.s32 s4, s8;
	s6 =	sadd.s32 s6, s31  }
0x10: {  	s8 =	simm.s32 $0x80;
	s5 =	sadd.s32 $0x10, s9;
	s9 =	simm.s32 $0x400  }
.LBB2_1:
0x11: {  	[tilespmem:s1], [sflag:$0x1] =	stream.strided.gather [hbm4b:s4+s8], $0x400, s9, s8, $0x38;
	[tilespmem:$0xC800] =	vst v63  }
0x12: {  	_ =	swait.ge [sflag:s10], $0x400  }
0x13: {  	[sflag:s10] =	ssyncset.done $0x0  }
0x14: {  	[sflag:s10] =	ssyncadd.s32 $0xFFFFFC00  }
0x15: {  	[tilespmem:s9], [sflag:$0x1] =	stream.strided.gather [hbm4b:s5+s8], $0x400, s9, s8, $0x38;
	[tilespmem:$0xC800] =	vst v63  }
0x16: {  	_ =	swait.ge [sflag:s10], $0x400  }
0x17: {  	[sflag:s10] =	ssyncset.done $0x0  }
0x18: {  	[sflag:s10] =	ssyncadd.s32 $0xFFFFFC00  }
0x19: {  	[tilespmem:s11], [sflag:$0x1] =	stream.linear.gather [hbm4b:s3+s1], $0x4000, $0x38;
	[tilespmem:$0xC800] =	vst v63  }
0x1a: {  	_ =	swait.ge [sflag:s10], $0x4000  }
0x1b: {  	[sflag:s10] =	ssyncset.done $0x0  }
0x1c: {  	s18 =	simm.s32 $0x900;
	[sflag:s10] =	ssyncadd.s32 $0xFFFFC000  }
0x1d: {  	v0 =	vld [tilespmem:s18+$0x80];
	_ =	sdelay $0x1  }
0x1e: {  	v1 =	vld [tilespmem:s18+$0xFFFFFF00]  }
0x1f: {  	v2 =	vld [tilespmem:s18+$0xFFFFFF80];
	_ =	sdelay $0x1  }
0x20: {  	v3 =	vld [tilespmem:s18+$0x0];
	_ =	sdelay $0x2  }
0x21: {  	v4 =	vld.idx.msk [tilespmem:v0+s1+$0x0], $0xffff  }
0x22: {  	v0 =	vadd.s32 $0x400, v0  }
0x23: {  	v5 =	vld.idx.msk [tilespmem:v1+s1+$0x0], $0xffff  }
0x24: {  	v1 =	vadd.s32 $0x400, v1;
	v6 =	vld.idx.msk [tilespmem:v2+s1+$0x0], $0xffff  }
0x25: {  	s15 =	simm.s32 $0x4A00;
	v2 =	vadd.s32 $0x400, v2  }
0x26: {  	v7 =	vld.idx.msk [tilespmem:v3+s1+$0x0], $0xffff;
	[tilespmem:s15+$0x100] =	vst v4  }
0x27: {  	v3 =	vadd.s32 $0x400, v3;
	v0 =	vld.idx.msk [tilespmem:v0+s1+$0x0], $0xffff  }
0x28: {  	[tilespmem:s15+$0xFFFFFE00] =	vst v5  }
0x29: {  	[tilespmem:s15+$0xFFFFFF00] =	vst v6;
	v1 =	vld.idx.msk [tilespmem:v1+s1+$0x0], $0xffff  }
0x2a: {  	v2 =	vld.idx.msk [tilespmem:v2+s1+$0x0], $0xffff  }
0x2b: {  	[tilespmem:s15+$0x0] =	vst v7  }
0x2c: {  	v3 =	vld.idx.msk [tilespmem:v3+s1+$0x0], $0xffff;
	[tilespmem:s15+$0x180] =	vst v0  }
0x2d: {  	v0 =	vld [tilespmem:s18+$0x90]  }
0x2e: {  	[tilespmem:s15+$0xFFFFFE80] =	vst v1  }
0x2f: {  	[tilespmem:s15+$0xFFFFFF80] =	vst v2;
	v1 =	vld [tilespmem:s18+$0xFFFFFF10]  }
0x30: {  	v2 =	vld [tilespmem:s18+$0xFFFFFF90]  }
0x31: {  	[tilespmem:s15+$0x80] =	vst v3  }
0x32: {  	v3 =	vld [tilespmem:s18+$0x10];
	_ =	sdelay $0x2  }
0x33: {  	v4 =	vld.idx.msk [tilespmem:v0+s1+$0x0], $0xffff  }
0x34: {  	v0 =	vadd.s32 $0x400, v0  }
0x35: {  	v5 =	vld.idx.msk [tilespmem:v1+s1+$0x0], $0xffff  }
0x36: {  	v1 =	vadd.s32 $0x400, v1;
	v6 =	vld.idx.msk [tilespmem:v2+s1+$0x0], $0xffff  }
0x37: {  	v2 =	vadd.s32 $0x400, v2  }
0x38: {  	v7 =	vld.idx.msk [tilespmem:v3+s1+$0x0], $0xffff;
	[tilespmem:s15+$0x110] =	vst v4  }
0x39: {  	v3 =	vadd.s32 $0x400, v3;
	v0 =	vld.idx.msk [tilespmem:v0+s1+$0x0], $0xffff  }
0x3a: {  	[tilespmem:s15+$0xFFFFFE10] =	vst v5  }
0x3b: {  	[tilespmem:s15+$0xFFFFFF10] =	vst v6;
	v1 =	vld.idx.msk [tilespmem:v1+s1+$0x0], $0xffff  }
0x3c: {  	v2 =	vld.idx.msk [tilespmem:v2+s1+$0x0], $0xffff  }
0x3d: {  	[tilespmem:s15+$0x10] =	vst v7  }
0x3e: {  	v3 =	vld.idx.msk [tilespmem:v3+s1+$0x0], $0xffff;
	[tilespmem:s15+$0x190] =	vst v0  }
0x3f: {  	v0 =	vld [tilespmem:s18+$0xA0]  }
0x40: {  	[tilespmem:s15+$0xFFFFFE90] =	vst v1  }
0x41: {  	[tilespmem:s15+$0xFFFFFF90] =	vst v2;
	v1 =	vld [tilespmem:s18+$0xFFFFFF20]  }
0x42: {  	v2 =	vld [tilespmem:s18+$0xFFFFFFA0]  }
0x43: {  	[tilespmem:s15+$0x90] =	vst v3  }
0x44: {  	v3 =	vld [tilespmem:s18+$0x20];
	_ =	sdelay $0x2  }
0x45: {  	v4 =	vld.idx.msk [tilespmem:v0+s1+$0x0], $0xffff  }
0x46: {  	v0 =	vadd.s32 $0x400, v0  }
0x47: {  	v5 =	vld.idx.msk [tilespmem:v1+s1+$0x0], $0xffff  }
0x48: {  	v1 =	vadd.s32 $0x400, v1;
	v6 =	vld.idx.msk [tilespmem:v2+s1+$0x0], $0xffff  }
0x49: {  	v2 =	vadd.s32 $0x400, v2  }
0x4a: {  	v7 =	vld.idx.msk [tilespmem:v3+s1+$0x0], $0xffff;
	[tilespmem:s15+$0x120] =	vst v4  }
0x4b: {  	v3 =	vadd.s32 $0x400, v3;
	v0 =	vld.idx.msk [tilespmem:v0+s1+$0x0], $0xffff  }
0x4c: {  	[tilespmem:s15+$0xFFFFFE20] =	vst v5  }
0x4d: {  	[tilespmem:s15+$0xFFFFFF20] =	vst v6;
	v1 =	vld.idx.msk [tilespmem:v1+s1+$0x0], $0xffff  }
0x4e: {  	v2 =	vld.idx.msk [tilespmem:v2+s1+$0x0], $0xffff  }
0x4f: {  	[tilespmem:s15+$0x20] =	vst v7  }
0x50: {  	v3 =	vld.idx.msk [tilespmem:v3+s1+$0x0], $0xffff;
	[tilespmem:s15+$0x1A0] =	vst v0  }
0x51: {  	v0 =	vld [tilespmem:s18+$0xB0]  }
0x52: {  	[tilespmem:s15+$0xFFFFFEA0] =	vst v1  }
0x53: {  	[tilespmem:s15+$0xFFFFFFA0] =	vst v2;
	v1 =	vld [tilespmem:s18+$0xFFFFFF30]  }
0x54: {  	v2 =	vld [tilespmem:s18+$0xFFFFFFB0]  }
0x55: {  	[tilespmem:s15+$0xA0] =	vst v3  }
0x56: {  	v3 =	vld [tilespmem:s18+$0x30];
	_ =	sdelay $0x2  }
0x57: {  	v4 =	vld.idx.msk [tilespmem:v0+s1+$0x0], $0xffff  }
0x58: {  	v0 =	vadd.s32 $0x400, v0  }
0x59: {  	v5 =	vld.idx.msk [tilespmem:v1+s1+$0x0], $0xffff  }
0x5a: {  	v1 =	vadd.s32 $0x400, v1;
	v6 =	vld.idx.msk [tilespmem:v2+s1+$0x0], $0xffff  }
0x5b: {  	v2 =	vadd.s32 $0x400, v2  }
0x5c: {  	v7 =	vld.idx.msk [tilespmem:v3+s1+$0x0], $0xffff;
	[tilespmem:s15+$0x130] =	vst v4  }
0x5d: {  	s17 =	simm.s32 $0xB00;
	v3 =	vadd.s32 $0x400, v3;
	v0 =	vld.idx.msk [tilespmem:v0+s1+$0x0], $0xffff  }
0x5e: {  	v8 =	vld [tilespmem:s17+$0xFFFFFF00];
	[tilespmem:s15+$0xFFFFFE30] =	vst v5  }
0x5f: {  	[tilespmem:s15+$0xFFFFFF30] =	vst v6;
	v1 =	vld.idx.msk [tilespmem:v1+s1+$0x0], $0xffff  }
0x60: {  	v2 =	vld.idx.msk [tilespmem:v2+s1+$0x0], $0xffff  }
0x61: {  	[tilespmem:s15+$0x30] =	vst v7;
	v4 =	vld [tilespmem:s17+$0x80]  }
0x62: {  	v3 =	vld.idx.msk [tilespmem:v3+s1+$0x0], $0xffff;
	[tilespmem:s15+$0x1B0] =	vst v0  }
0x63: {  	v0 =	vld [tilespmem:s18+$0xC0]  }
0x64: {  	v7 =	vld [tilespmem:s17+$0x0];
	[tilespmem:s15+$0xFFFFFEB0] =	vst v1  }
0x65: {  	[tilespmem:s15+$0xFFFFFFB0] =	vst v2;
	v1 =	vld [tilespmem:s18+$0xFFFFFF40]  }
0x66: {  	v2 =	vld [tilespmem:s18+$0xFFFFFFC0]  }
0x67: {  	v5 =	vld [tilespmem:s17+$0xFFFFFF80];
	[tilespmem:s15+$0xB0] =	vst v3  }
0x68: {  	v3 =	vld [tilespmem:s18+$0x40]  }
0x69: {  	v12 =	vld.idx.msk [tilespmem:v4+s1+$0x0], $0xffff  }
0x6a: {  	v46 =	vld.idx.msk [tilespmem:v8+s1+$0x0], $0xffff;
	v4 =	vadd.s32 $0x400, v4  }
0x6b: {  	v6 =	vld.idx.msk [tilespmem:v0+s1+$0x0], $0xffff  }
0x6c: {  	v13 =	vld.idx.msk [tilespmem:v7+s1+$0x0], $0xffff  }
0x6d: {  	s16 =	simm.s32 $0x4E00;
	v0 =	vadd.s32 $0x400, v0;
	v9 =	vld.idx.msk [tilespmem:v1+s1+$0x0], $0xffff  }
0x6e: {  	[tilespmem:s16+$0x100] =	vst v12;
	v10 =	vld.idx.msk [tilespmem:v2+s1+$0x0], $0xffff;
	v1 =	vadd.s32 $0x400, v1  }
0x6f: {  	v4 =	vld.idx.msk [tilespmem:v4+s1+$0x0], $0xffff;
	v2 =	vadd.s32 $0x400, v2  }
0x70: {  	v7 =	vadd.s32 $0x400, v7;
	[tilespmem:s15+$0x140] =	vst v6;
	v6 =	vld.idx.msk [tilespmem:v5+s1+$0x0], $0xffff  }
0x71: {  	v8 =	vadd.s32 $0x400, v8;
	[tilespmem:s16+$0xFFFFFE00] =	vst v46;
	v11 =	vld.idx.msk [tilespmem:v3+s1+$0x0], $0xffff  }
0x72: {  	[tilespmem:s15+$0xFFFFFE40] =	vst v9;
	v0 =	vld.idx.msk [tilespmem:v0+s1+$0x0], $0xffff  }
0x73: {  	v5 =	vadd.s32 $0x400, v5;
	[tilespmem:s15+$0xFFFFFF40] =	vst v10;
	v1 =	vld.idx.msk [tilespmem:v1+s1+$0x0], $0xffff  }
0x74: {  	[tilespmem:s16+$0x0] =	vst v13;
	v3 =	vadd.s32 $0x400, v3;
	v2 =	vld.idx.msk [tilespmem:v2+s1+$0x0], $0xffff  }
0x75: {  	[tilespmem:s16+$0xFFFFFF00] =	vst v6;
	v6 =	vld.idx.msk [tilespmem:v7+s1+$0x0], $0xffff  }
0x76: {  	[tilespmem:s16+$0x180] =	vst v4;
	v7 =	vld.idx.msk [tilespmem:v8+s1+$0x0], $0xffff  }
0x77: {  	[tilespmem:s15+$0x40] =	vst v11  }
0x78: {  	[tilespmem:s15+$0x1C0] =	vst v0;
	v5 =	vld.idx.msk [tilespmem:v5+s1+$0x0], $0xffff  }
0x79: {  	[tilespmem:s15+$0xFFFFFEC0] =	vst v1;
	v1 =	vld.idx.msk [tilespmem:v3+s1+$0x0], $0xffff  }
0x7a: {  	[tilespmem:s15+$0xFFFFFFC0] =	vst v2;
	v2 =	vld [tilespmem:s17+$0x90]  }
0x7b: {  	v0 =	vld [tilespmem:s18+$0xD0];
	[tilespmem:s16+$0xFFFFFE80] =	vst v7  }
0x7c: {  	v3 =	vld [tilespmem:s18+$0xFFFFFF50];
	[tilespmem:s16+$0x80] =	vst v6  }
0x7d: {  	[tilespmem:s16+$0xFFFFFF80] =	vst v5;
	v6 =	vld [tilespmem:s17+$0xFFFFFF10]  }
0x7e: {  	[tilespmem:s15+$0xC0] =	vst v1;
	v1 =	vld [tilespmem:s17+$0x10]  }
0x7f: {  	v7 =	vld [tilespmem:s17+$0xFFFFFF90]  }
0x80: {  	v4 =	vld [tilespmem:s18+$0xFFFFFFD0]  }
0x81: {  	v8 =	vld [tilespmem:s18+$0x50]  }
0x82: {  	v48 =	vld.idx.msk [tilespmem:v2+s1+$0x0], $0xffff  }
0x83: {  	v2 =	vadd.s32 $0x400, v2;
	v5 =	vld.idx.msk [tilespmem:v0+s1+$0x0], $0xffff  }
0x84: {  	v0 =	vadd.s32 $0x400, v0;
	v47 =	vld.idx.msk [tilespmem:v3+s1+$0x0], $0xffff  }
0x85: {  	v50 =	vld.idx.msk [tilespmem:v6+s1+$0x0], $0xffff  }
0x86: {  	v13 =	vld.idx.msk [tilespmem:v1+s1+$0x0], $0xffff  }
0x87: {  	v6 =	vadd.s32 $0x400, v6;
	[tilespmem:s16+$0x110] =	vst v48;
	v49 =	vld.idx.msk [tilespmem:v7+s1+$0x0], $0xffff  }
0x88: {  	v1 =	vadd.s32 $0x400, v1;
	[tilespmem:s15+$0x150] =	vst v5;
	v2 =	vld.idx.msk [tilespmem:v2+s1+$0x0], $0xffff  }
0x89: {  	v7 =	vadd.s32 $0x400, v7;
	v0 =	vld.idx.msk [tilespmem:v0+s1+$0x0], $0xffff  }
0x8a: {  	v5 =	vld.idx.msk [tilespmem:v4+s1+$0x0], $0xffff;
	[tilespmem:s16+$0xFFFFFE10] =	vst v50  }
0x8b: {  	v51 =	vld.idx.msk [tilespmem:v8+s1+$0x0], $0xffff;
	[tilespmem:s16+$0x10] =	vst v13  }
0x8c: {  	v3 =	vadd.s32 $0x400, v3;
	[tilespmem:s16+$0xFFFFFF10] =	vst v49;
	v6 =	vld.idx.msk [tilespmem:v6+s1+$0x0], $0xffff  }
0x8d: {  	v8 =	vadd.s32 $0x400, v8;
	v1 =	vld.idx.msk [tilespmem:v1+s1+$0x0], $0xffff;
	[tilespmem:s16+$0x190] =	vst v2  }
0x8e: {  	[tilespmem:s15+$0x1D0] =	vst v0;
	v0 =	vadd.s32 $0x400, v4;
	v7 =	vld.idx.msk [tilespmem:v7+s1+$0x0], $0xffff  }
0x8f: {  	v2 =	vld [tilespmem:s17+$0xA0]  }
0x90: {  	[tilespmem:s15+$0xFFFFFE50] =	vst v47;
	v4 =	vld [tilespmem:s18+$0xE0]  }
0x91: {  	v3 =	vld.idx.msk [tilespmem:v3+s1+$0x0], $0xffff;
	[tilespmem:s15+$0x50] =	vst v51  }
0x92: {  	[tilespmem:s15+$0xFFFFFF50] =	vst v5;
	v5 =	vld.idx.msk [tilespmem:v8+s1+$0x0], $0xffff  }
0x93: {  	[tilespmem:s16+$0xFFFFFE90] =	vst v6;
	v0 =	vld.idx.msk [tilespmem:v0+s1+$0x0], $0xffff  }
0x94: {  	[tilespmem:s16+$0xFFFFFF90] =	vst v7;
	v8 =	vld [tilespmem:s17+$0xFFFFFF20]  }
0x95: {  	[tilespmem:s16+$0x90] =	vst v1;
	v6 =	vld [tilespmem:s17+$0xFFFFFFA0]  }
0x96: {  	[tilespmem:s15+$0xFFFFFED0] =	vst v3;
	v3 =	vld [tilespmem:s17+$0x20]  }
0x97: {  	v52 =	vld.idx.msk [tilespmem:v2+s1+$0x0], $0xffff  }
0x98: {  	v7 =	vld.idx.msk [tilespmem:v4+s1+$0x0], $0xffff  }
0x99: {  	[tilespmem:s15+$0xFFFFFFD0] =	vst v0;
	v0 =	vld [tilespmem:s18+$0xFFFFFF60]  }
0x9a: {  	[tilespmem:s15+$0xD0] =	vst v5;
	v1 =	vadd.s32 $0x400, v4;
	v2 =	vadd.s32 $0x400, v2;
	v4 =	vld [tilespmem:s18+$0xFFFFFFE0]  }
0x9b: {  	v5 =	vld [tilespmem:s18+$0x60]  }
0x9c: {  	v53 =	vld.idx.msk [tilespmem:v8+s1+$0x0], $0xffff  }
0x9d: {  	[tilespmem:s15+$0x160] =	vst v7;
	v7 =	vld.idx.msk [tilespmem:v6+s1+$0x0], $0xffff  }
0x9e: {  	v54 =	vld.idx.msk [tilespmem:v3+s1+$0x0], $0xffff;
	v8 =	vadd.s32 $0x400, v8;
	[tilespmem:s16+$0x120] =	vst v52  }
0x9f: {  	v3 =	vadd.s32 $0x400, v3;
	v2 =	vld.idx.msk [tilespmem:v2+s1+$0x0], $0xffff  }
0xa0: {  	v6 =	vadd.s32 $0x400, v6;
	v1 =	vld.idx.msk [tilespmem:v1+s1+$0x0], $0xffff  }
0xa1: {  	v55 =	vld.idx.msk [tilespmem:v0+s1+$0x0], $0xffff;
	[tilespmem:s16+$0xFFFFFE20] =	vst v53  }
0xa2: {  	[tilespmem:s16+$0xFFFFFF20] =	vst v7;
	v7 =	vld.idx.msk [tilespmem:v4+s1+$0x0], $0xffff  }
0xa3: {  	[tilespmem:s16+$0x20] =	vst v54;
	v8 =	vld.idx.msk [tilespmem:v8+s1+$0x0], $0xffff  }
0xa4: {  	s19 =	simm.s32 $0x3C0;
	v0 =	vadd.s32 $0x400, v0;
	v3 =	vld.idx.msk [tilespmem:v3+s1+$0x0], $0xffff  }
0xa5: {  	s19 =	sor.u32 $0xE0, s19;
	[tilespmem:s16+$0x1A0] =	vst v2;
	v6 =	vld.idx.msk [tilespmem:v6+s1+$0x0], $0xffff  }
0xa6: {  	v2 =	vadd.s32 $0x400, v4;
	[tilespmem:s19+$0x4800] =	vst v1;
	v4 =	vld [tilespmem:s17+$0xB0]  }
0xa7: {  	v1 =	vld [tilespmem:s18+$0xF0]  }
0xa8: {  	v56 =	vld.idx.msk [tilespmem:v5+s1+$0x0], $0xffff;
	[tilespmem:s15+$0xFFFFFE60] =	vst v55  }
0xa9: {  	v0 =	vld.idx.msk [tilespmem:v0+s1+$0x0], $0xffff;
	[tilespmem:s16+$0xFFFFFEA0] =	vst v8  }
0xaa: {  	[tilespmem:s16+$0xA0] =	vst v3;
	v8 =	vld [tilespmem:s17+$0xFFFFFF30]  }
0xab: {  	v5 =	vadd.s32 $0x400, v5;
	[tilespmem:s16+$0xFFFFFFA0] =	vst v6;
	v3 =	vld [tilespmem:s17+$0x30]  }
0xac: {  	[tilespmem:s15+$0xFFFFFF60] =	vst v7;
	v6 =	vld [tilespmem:s17+$0xFFFFFFB0]  }
0xad: {  	v2 =	vld.idx.msk [tilespmem:v2+s1+$0x0], $0xffff  }
0xae: {  	v57 =	vld.idx.msk [tilespmem:v4+s1+$0x0], $0xffff  }
0xaf: {  	[tilespmem:s15+$0x60] =	vst v56;
	v7 =	vld.idx.msk [tilespmem:v1+s1+$0x0], $0xffff  }
0xb0: {  	[tilespmem:s15+$0xFFFFFEE0] =	vst v0;
	v0 =	vld.idx.msk [tilespmem:v5+s1+$0x0], $0xffff  }
0xb1: {  	s29 =	simm.s32 $0x1C0;
	v4 =	vadd.s32 $0x400, v4;
	v5 =	vld [tilespmem:s18+$0xFFFFFF70]  }
0xb2: {  	s19 =	sor.u32 $0xE0, s29;
	v59 =	vld.idx.msk [tilespmem:v8+s1+$0x0], $0xffff  }
0xb3: {  	s20 =	simm.s32 $0x2C0;
	v1 =	vadd.s32 $0x400, v1;
	[tilespmem:s19+$0x4800] =	vst v2;
	v2 =	vld.idx.msk [tilespmem:v3+s1+$0x0], $0xffff  }
0xb4: {  	s20 =	sor.u32 $0xE0, s20;
	[tilespmem:s16+$0x130] =	vst v57;
	v58 =	vld.idx.msk [tilespmem:v6+s1+$0x0], $0xffff  }
0xb5: {  	v6 =	vadd.s32 $0x400, v6;
	[tilespmem:s20+$0x4800] =	vst v0;
	v0 =	vld [tilespmem:s18+$0xFFFFFFF0]  }
0xb6: {  	[tilespmem:s15+$0x170] =	vst v7;
	v7 =	vadd.s32 $0x400, v8;
	v4 =	vld.idx.msk [tilespmem:v4+s1+$0x0], $0xffff  }
0xb7: {  	v3 =	vadd.s32 $0x400, v3;
	v8 =	vld [tilespmem:s18+$0x70]  }
0xb8: {  	v1 =	vld.idx.msk [tilespmem:v1+s1+$0x0], $0xffff  }
0xb9: {  	v60 =	vld.idx.msk [tilespmem:v5+s1+$0x0], $0xffff;
	[tilespmem:s16+$0xFFFFFF30] =	vst v58  }
0xba: {  	[tilespmem:s16+$0xFFFFFE30] =	vst v59;
	v6 =	vld.idx.msk [tilespmem:v6+s1+$0x0], $0xffff  }
0xbb: {  	[tilespmem:s16+$0x30] =	vst v2;
	v7 =	vld.idx.msk [tilespmem:v7+s1+$0x0], $0xffff  }
0xbc: {  	s19 =	simm.s32 $0x3E0;
	v2 =	vld.idx.msk [tilespmem:v3+s1+$0x0], $0xffff;
	[tilespmem:s16+$0x1B0] =	vst v4  }
0xbd: {  	s30 =	sor.u32 $0xF0, s19;
	v61 =	vadd.s32 $0x400, v5;
	v5 =	vld [tilespmem:s17+$0xC0]  }
0xbe: {  	[tilespmem:s30+$0x4800] =	vst v1;
	v1 =	vld.idx.msk [tilespmem:v0+s1+$0x0], $0xffff  }
0xbf: {  	v63 =	vadd.s32 $0x400, v0;
	v62 =	vld.idx.msk [tilespmem:v8+s1+$0x0], $0xffff;
	[tilespmem:s16+$0xFFFFFFB0] =	vst v6  }
0xc0: {  	[tilespmem:s16+$0xFFFFFEB0] =	vst v7;
	v3 =	vld [tilespmem:s17+$0xFFFFFFC0]  }
0xc1: {  	[tilespmem:s16+$0xB0] =	vst v2;
	v6 =	vld [tilespmem:s17+$0xFFFFFF40]  }
0xc2: {  	s31 =	simm.s32 $0x1E0;
	[tilespmem:s15+$0xFFFFFE70] =	vst v60;
	v4 =	vld [tilespmem:s17+$0x40]  }
0xc3: {  	s21 =	simm.s32 $0x2E0;
	s22 =	sor.u32 $0xF0, s31;
	v2 =	vld.idx.msk [tilespmem:v61+s1+$0x0], $0xffff;
	[tilespmem:s15+$0xFFFFFF70] =	vst v1  }
0xc4: {  	s20 =	simm.s32 $0x4;
	s18 =	sor.u32 $0xF0, s21;
	s21 =	simm.s32 $0xD00;
	v0 =	vadd.s32 $0x400, v8;
	v1 =	vld.idx.msk [tilespmem:v63+s1+$0x0], $0xffff;
	[tilespmem:s15+$0x70] =	vst v62  }
.LBB2_2:
0xc5: {  	v7 =	vld [tilespmem:s21+$0x80];
	v8 =	vadd.s32 $0x400, v3  }
0xc6: {  	v9 =	vld [tilespmem:s21+$0xFFFFFF80];
	v10 =	vadd.s32 $0x400, v6  }
0xc7: {  	s20 =	sadd.s32 $0x4, s20;
	v11 =	vadd.s32 $0x400, v4;
	v12 =	vld.idx.msk [tilespmem:v5+s1+$0x0], $0xffff  }
0xc8: {  	p0 =	slt.u32 s20, $0x7C;
	v13 =	vld [tilespmem:s21+$0x0]  }
0xc9: {  	v5 =	vadd.s32 $0x400, v5;
	v14 =	vld [tilespmem:s21+$0xFFFFFF00];
	[tilespmem:s15+$0xFFFFFEF0] =	vst v2;
	s15 =	smov.u32 s16  }
0xca: {  	v2 =	vld.idx.msk [tilespmem:v6+s1+$0x0], $0xffff;
	[tilespmem:s22+$0x4800] =	vst v1  }
0xcb: {  	v1 =	vadd.s32 $0x400, v9;
	v3 =	vld.idx.msk [tilespmem:v3+s1+$0x0], $0xffff  }
0xcc: {  	v4 =	vld.idx.msk [tilespmem:v4+s1+$0x0], $0xffff  }
0xcd: {  	v6 =	vadd.s32 $0x400, v13;
	v15 =	vld.idx.msk [tilespmem:v7+s1+$0x0], $0xffff;
	[tilespmem:s16+$0x140] =	vst v12  }
0xce: {  	v12 =	vadd.s32 $0x400, v14;
	v5 =	vld.idx.msk [tilespmem:v5+s1+$0x0], $0xffff  }
0xcf: {  	v7 =	vadd.s32 $0x400, v7;
	v9 =	vld.idx.msk [tilespmem:v9+s1+$0x0], $0xffff  }
0xd0: {  	v13 =	vld.idx.msk [tilespmem:v13+s1+$0x0], $0xffff;
	[tilespmem:s16+$0xFFFFFE40] =	vst v2  }
0xd1: {  	v2 =	vld.idx.msk [tilespmem:v14+s1+$0x0], $0xffff;
	[tilespmem:s16+$0xFFFFFF40] =	vst v3  }
0xd2: {  	s16 =	sadd.s32 $0x400, s16;
	v3 =	vld.idx.msk [tilespmem:v10+s1+$0x0], $0xffff;
	[tilespmem:s15+$0x40] =	vst v4  }
0xd3: {  	[tilespmem:s16+$0x100] =	vst v15;
	v4 =	vld.idx.msk [tilespmem:v8+s1+$0x0], $0xffff  }
0xd4: {  	v7 =	vld.idx.msk [tilespmem:v7+s1+$0x0], $0xffff;
	[tilespmem:s15+$0x1C0] =	vst v5  }
0xd5: {  	[tilespmem:s16+$0xFFFFFF00] =	vst v9;
	v5 =	vld [tilespmem:s17+$0xD0]  }
0xd6: {  	v1 =	vld.idx.msk [tilespmem:v1+s1+$0x0], $0xffff;
	[tilespmem:s16+$0x0] =	vst v13  }
0xd7: {  	[tilespmem:s16+$0xFFFFFE00] =	vst v2;
	v2 =	vld.idx.msk [tilespmem:v6+s1+$0x0], $0xffff  }
0xd8: {  	v6 =	vld.idx.msk [tilespmem:v12+s1+$0x0], $0xffff;
	[tilespmem:s15+$0xFFFFFEC0] =	vst v3  }
0xd9: {  	[tilespmem:s15+$0xFFFFFFC0] =	vst v4;
	v3 =	vld.idx.msk [tilespmem:v11+s1+$0x0], $0xffff  }
0xda: {  	[tilespmem:s16+$0x180] =	vst v7;
	v4 =	vld [tilespmem:s17+$0xFFFFFF50]  }
0xdb: {  	v7 =	vld [tilespmem:s21+$0x90]  }
0xdc: {  	[tilespmem:s16+$0xFFFFFF80] =	vst v1;
	v1 =	vld [tilespmem:s17+$0xFFFFFFD0]  }
0xdd: {  	[tilespmem:s16+$0x80] =	vst v2;
	v2 =	vld.idx.msk [tilespmem:v5+s1+$0x0], $0xffff  }
0xde: {  	[tilespmem:s16+$0xFFFFFE80] =	vst v6;
	v6 =	vld [tilespmem:s21+$0xFFFFFF90]  }
0xdf: {  	v8 =	vld [tilespmem:s21+$0xFFFFFF10];
	v9 =	vadd.s32 $0x400, v4;
	[tilespmem:s15+$0xC0] =	vst v3;
	v3 =	vadd.s32 $0x400, v5  }
0xe0: {  	v5 =	vld [tilespmem:s21+$0x10]  }
0xe1: {  	v10 =	vadd.s32 $0x400, v1;
	v11 =	vld [tilespmem:s17+$0x50]  }
0xe2: {  	v4 =	vld.idx.msk [tilespmem:v4+s1+$0x0], $0xffff  }
0xe3: {  	v12 =	vadd.s32 $0x400, v6;
	v13 =	vld.idx.msk [tilespmem:v7+s1+$0x0], $0xffff;
	[tilespmem:s15+$0x150] =	vst v2  }
0xe4: {  	v2 =	vadd.s32 $0x400, v8;
	v3 =	vld.idx.msk [tilespmem:v3+s1+$0x0], $0xffff  }
0xe5: {  	v7 =	vadd.s32 $0x400, v7;
	v14 =	vadd.s32 $0x400, v5;
	v1 =	vld.idx.msk [tilespmem:v1+s1+$0x0], $0xffff  }
0xe6: {  	v6 =	vld.idx.msk [tilespmem:v6+s1+$0x0], $0xffff;
	v15 =	vadd.s32 $0x400, v11  }
0xe7: {  	v8 =	vld.idx.msk [tilespmem:v8+s1+$0x0], $0xffff  }
0xe8: {  	v5 =	vld.idx.msk [tilespmem:v5+s1+$0x0], $0xffff;
	[tilespmem:s15+$0xFFFFFE50] =	vst v4  }
0xe9: {  	[tilespmem:s16+$0x110] =	vst v13;
	v4 =	vld.idx.msk [tilespmem:v11+s1+$0x0], $0xffff  }
0xea: {  	v7 =	vld.idx.msk [tilespmem:v7+s1+$0x0], $0xffff;
	[tilespmem:s15+$0x1D0] =	vst v3  }
0xeb: {  	[tilespmem:s15+$0xFFFFFF50] =	vst v1;
	v1 =	vld [tilespmem:s17+$0xE0]  }
0xec: {  	[tilespmem:s16+$0xFFFFFF10] =	vst v6;
	v3 =	vld.idx.msk [tilespmem:v9+s1+$0x0], $0xffff  }
0xed: {  	[tilespmem:s16+$0xFFFFFE10] =	vst v8;
	v6 =	vld.idx.msk [tilespmem:v12+s1+$0x0], $0xffff  }
0xee: {  	v2 =	vld.idx.msk [tilespmem:v2+s1+$0x0], $0xffff;
	[tilespmem:s16+$0x10] =	vst v5  }
0xef: {  	v5 =	vld.idx.msk [tilespmem:v14+s1+$0x0], $0xffff;
	[tilespmem:s15+$0x50] =	vst v4  }
0xf0: {  	[tilespmem:s16+$0x190] =	vst v7;
	v4 =	vld.idx.msk [tilespmem:v10+s1+$0x0], $0xffff  }
0xf1: {  	v7 =	vld [tilespmem:s21+$0xA0]  }
0xf2: {  	[tilespmem:s15+$0xFFFFFED0] =	vst v3;
	v3 =	vld.idx.msk [tilespmem:v15+s1+$0x0], $0xffff  }
0xf3: {  	[tilespmem:s16+$0xFFFFFF90] =	vst v6;
	v6 =	vld.idx.msk [tilespmem:v1+s1+$0x0], $0xffff  }
0xf4: {  	[tilespmem:s16+$0xFFFFFE90] =	vst v2;
	v2 =	vld [tilespmem:s21+$0xFFFFFFA0]  }
0xf5: {  	v1 =	vadd.s32 $0x400, v1;
	v8 =	vld [tilespmem:s21+$0xFFFFFF20];
	[tilespmem:s16+$0x90] =	vst v5  }
0xf6: {  	v5 =	vld [tilespmem:s21+$0x20];
	[tilespmem:s15+$0xFFFFFFD0] =	vst v4  }
0xf7: {  	v4 =	vld [tilespmem:s17+$0xFFFFFF60]  }
0xf8: {  	v9 =	vld [tilespmem:s17+$0xFFFFFFE0];
	[tilespmem:s15+$0xD0] =	vst v3  }
0xf9: {  	v3 =	vadd.s32 $0x400, v2;
	v10 =	vld.idx.msk [tilespmem:v7+s1+$0x0], $0xffff;
	[tilespmem:s15+$0x160] =	vst v6  }
0xfa: {  	v6 =	vadd.s32 $0x400, v8;
	v1 =	vld.idx.msk [tilespmem:v1+s1+$0x0], $0xffff  }
0xfb: {  	v7 =	vadd.s32 $0x400, v7;
	v11 =	vadd.s32 $0x400, v5;
	v12 =	vld [tilespmem:s17+$0x60]  }
0xfc: {  	v2 =	vld.idx.msk [tilespmem:v2+s1+$0x0], $0xffff;
	v13 =	vadd.s32 $0x400, v4  }
0xfd: {  	s19 =	sadd.s32 $0x400, s19;
	v8 =	vld.idx.msk [tilespmem:v8+s1+$0x0], $0xffff;
	v14 =	vadd.s32 $0x400, v9  }
0xfe: {  	s23 =	sadd.s32 $0xFFFFFEE0, s19;
	s26 =	sadd.s32 $0xFFFFFFE0, s19;
	s22 =	sadd.s32 $0xFFFFFDE0, s19;
	v5 =	vld.idx.msk [tilespmem:v5+s1+$0x0], $0xffff  }
0xff: {  	s24 =	sor.u32 $0xE0, s23;
	s25 =	sor.u32 $0xE0, s22;
	s22 =	sor.u32 $0xE0, s26;
	[tilespmem:s16+$0x120] =	vst v10;
	v4 =	vld.idx.msk [tilespmem:v4+s1+$0x0], $0xffff  }
0x100: {  	s23 =	sadd.s32 $0xFFFFFE00, s19;
	s26 =	sadd.s32 $0xFFFFFF00, s19;
	v7 =	vld.idx.msk [tilespmem:v7+s1+$0x0], $0xffff;
	v10 =	vadd.s32 $0x400, v12;
	[tilespmem:s22+$0x4800] =	vst v1  }
0x101: {  	s22 =	sor.u32 $0xF0, s23;
	s23 =	sor.u32 $0xF0, s26;
	v1 =	vld [tilespmem:s17+$0xF0]  }
0x102: {  	[tilespmem:s16+$0xFFFFFF20] =	vst v2;
	v2 =	vld.idx.msk [tilespmem:v9+s1+$0x0], $0xffff  }
0x103: {  	[tilespmem:s16+$0xFFFFFE20] =	vst v8;
	v3 =	vld.idx.msk [tilespmem:v3+s1+$0x0], $0xffff  }
0x104: {  	v6 =	vld.idx.msk [tilespmem:v6+s1+$0x0], $0xffff;
	[tilespmem:s16+$0x20] =	vst v5  }
0x105: {  	v5 =	vld.idx.msk [tilespmem:v11+s1+$0x0], $0xffff;
	[tilespmem:s15+$0xFFFFFE60] =	vst v4  }
0x106: {  	v4 =	vld.idx.msk [tilespmem:v12+s1+$0x0], $0xffff  }
0x107: {  	[tilespmem:s16+$0x1A0] =	vst v7;
	v7 =	vld.idx.msk [tilespmem:v13+s1+$0x0], $0xffff  }
0x108: {  	v8 =	vld [tilespmem:s21+$0xB0];
	[tilespmem:s15+$0xFFFFFF60] =	vst v2  }
0x109: {  	[tilespmem:s16+$0xFFFFFFA0] =	vst v3;
	v2 =	vld.idx.msk [tilespmem:v1+s1+$0x0], $0xffff  }
0x10a: {  	[tilespmem:s16+$0xFFFFFEA0] =	vst v6;
	v3 =	vld [tilespmem:s21+$0xFFFFFFB0]  }
0x10b: {  	v1 =	vadd.s32 $0x400, v1;
	v6 =	vld [tilespmem:s21+$0xFFFFFF30];
	[tilespmem:s16+$0xA0] =	vst v5  }
0x10c: {  	v5 =	vld [tilespmem:s21+$0x30];
	[tilespmem:s15+$0x60] =	vst v4  }
0x10d: {  	[tilespmem:s15+$0xFFFFFEE0] =	vst v7;
	v4 =	vld.idx.msk [tilespmem:v14+s1+$0x0], $0xffff  }
0x10e: {  	v7 =	vld.idx.msk [tilespmem:v10+s1+$0x0], $0xffff  }
0x10f: {  	v9 =	vadd.s32 $0x400, v3;
	v10 =	vld [tilespmem:s17+$0xFFFFFF70];
	[tilespmem:s15+$0x170] =	vst v2  }
0x110: {  	v2 =	vadd.s32 $0x400, v6;
	v1 =	vld.idx.msk [tilespmem:v1+s1+$0x0], $0xffff  }
0x111: {  	v11 =	vadd.s32 $0x400, v5;
	v12 =	vld.idx.msk [tilespmem:v8+s1+$0x0], $0xffff  }
0x112: {  	v3 =	vld.idx.msk [tilespmem:v3+s1+$0x0], $0xffff  }
0x113: {  	v8 =	vadd.s32 $0x400, v8;
	v6 =	vld.idx.msk [tilespmem:v6+s1+$0x0], $0xffff;
	[tilespmem:s25+$0x4800] =	vst v4  }
0x114: {  	v4 =	vld.idx.msk [tilespmem:v5+s1+$0x0], $0xffff;
	v13 =	vadd.s32 $0x400, v10;
	[tilespmem:s24+$0x4800] =	vst v7  }
0x115: {  	s24 =	sor.u32 $0xF0, s19;
	v5 =	vld [tilespmem:s17+$0xFFFFFFF0]  }
0x116: {  	v7 =	vld [tilespmem:s17+$0x70];
	[tilespmem:s24+$0x4800] =	vst v1;
	s17 =	smov.u32 s21  }
0x117: {  	[tilespmem:s16+$0x130] =	vst v12;
	v1 =	vld.idx.msk [tilespmem:v10+s1+$0x0], $0xffff  }
0x118: {  	[tilespmem:s16+$0xFFFFFF30] =	vst v3;
	v3 =	vld.idx.msk [tilespmem:v8+s1+$0x0], $0xffff  }
0x119: {  	[tilespmem:s16+$0xFFFFFE30] =	vst v6;
	v6 =	vld.idx.msk [tilespmem:v9+s1+$0x0], $0xffff  }
0x11a: {  	v2 =	vld.idx.msk [tilespmem:v2+s1+$0x0], $0xffff;
	[tilespmem:s16+$0x30] =	vst v4;
	v8 =	vadd.s32 $0x400, v5  }
0x11b: {  	v4 =	vld.idx.msk [tilespmem:v11+s1+$0x0], $0xffff;
	v9 =	vadd.s32 $0x400, v7  }
0x11c: {  	v10 =	vld.idx.msk [tilespmem:v0+s1+$0x0], $0xffff;
	v0 =	vmov v9  }
0x11d: {  	[tilespmem:s15+$0xFFFFFE70] =	vst v1;
	v1 =	vld.idx.msk [tilespmem:v5+s1+$0x0], $0xffff  }
0x11e: {  	[tilespmem:s16+$0x1B0] =	vst v3;
	v7 =	vld.idx.msk [tilespmem:v7+s1+$0x0], $0xffff  }
0x11f: {  	[tilespmem:s16+$0xFFFFFFB0] =	vst v6;
	v5 =	vld [tilespmem:s21+$0xC0]  }
.Ltmp0:
0x120: {  	[tilespmem:s16+$0xFFFFFEB0] =	vst v2;
	v3 =	vld [tilespmem:s21+$0xFFFFFFC0];
	(pc) =	sbr.rel @p0 .LBB2_2-.Ltmp0, $4  }
0x121: {  	v6 =	vld [tilespmem:s21+$0xFFFFFF40];
	[tilespmem:s16+$0xB0] =	vst v4  }
0x122: {  	v4 =	vld [tilespmem:s21+$0x40];
	[tilespmem:s18+$0x4800] =	vst v10;
	s18 =	smov.u32 s23  }
0x123: {  	v2 =	vld.idx.msk [tilespmem:v13+s1+$0x0], $0xffff;
	[tilespmem:s15+$0xFFFFFF70] =	vst v1  }
0x124: {  	s21 =	sadd.s32 $0x200, s21;
	v1 =	vld.idx.msk [tilespmem:v8+s1+$0x0], $0xffff;
	[tilespmem:s15+$0x70] =	vst v7  }
0x125: {  	_ =	sdelay $0x3  }
0x126: {  	v7 =	vld.idx.msk [tilespmem:v5+s1+$0x0], $0xffff  }
0x127: {  	v54 =	vadd.s32 $0x400, v5;
	v8 =	vld.idx.msk [tilespmem:v6+s1+$0x0], $0xffff  }
0x128: {  	v9 =	vld.idx.msk [tilespmem:v3+s1+$0x0], $0xffff;
	v55 =	vadd.s32 $0x400, v6  }
0x129: {  	v56 =	vadd.s32 $0x400, v3;
	v10 =	vld.idx.msk [tilespmem:v4+s1+$0x0], $0xffff  }
0x12a: {  	v57 =	vadd.s32 $0x400, v4  }
0x12b: {  	[tilespmem:s16+$0x140] =	vst v7  }
0x12c: {  	v5 =	vld.idx.msk [tilespmem:v54+s1+$0x0], $0xffff;
	[tilespmem:s16+$0xFFFFFE40] =	vst v8  }
0x12d: {  	[tilespmem:s16+$0xFFFFFF40] =	vst v9;
	v6 =	vld.idx.msk [tilespmem:v55+s1+$0x0], $0xffff  }
0x12e: {  	v3 =	vld.idx.msk [tilespmem:v56+s1+$0x0], $0xffff;
	[tilespmem:s16+$0x40] =	vst v10  }
0x12f: {  	v4 =	vld.idx.msk [tilespmem:v57+s1+$0x0], $0xffff;
	_ =	sdelay $0x1  }
0x130: {  	[tilespmem:s16+$0x1C0] =	vst v5  }
0x131: {  	v5 =	vld [tilespmem:s17+$0xD0];
	[tilespmem:s16+$0xFFFFFEC0] =	vst v6  }
0x132: {  	[tilespmem:s16+$0xFFFFFFC0] =	vst v3;
	v58 =	vld [tilespmem:s17+$0xFFFFFF50]  }
0x133: {  	v59 =	vld [tilespmem:s17+$0xFFFFFFD0];
	[tilespmem:s16+$0xC0] =	vst v4  }
0x134: {  	v4 =	vld [tilespmem:s17+$0x50];
	_ =	sdelay $0x4  }
0x135: {  	v7 =	vld.idx.msk [tilespmem:v5+s1+$0x0], $0xffff  }
0x136: {  	v5 =	vadd.s32 $0x400, v5;
	v8 =	vld.idx.msk [tilespmem:v58+s1+$0x0], $0xffff  }
0x137: {  	v3 =	vadd.s32 $0x400, v58;
	v9 =	vld.idx.msk [tilespmem:v59+s1+$0x0], $0xffff  }
0x138: {  	v6 =	vadd.s32 $0x400, v59;
	v10 =	vld.idx.msk [tilespmem:v4+s1+$0x0], $0xffff  }
0x139: {  	v4 =	vadd.s32 $0x400, v4  }
0x13a: {  	[tilespmem:s16+$0x150] =	vst v7  }
0x13b: {  	v5 =	vld.idx.msk [tilespmem:v5+s1+$0x0], $0xffff;
	[tilespmem:s16+$0xFFFFFE50] =	vst v8  }
0x13c: {  	[tilespmem:s16+$0xFFFFFF50] =	vst v9;
	v3 =	vld.idx.msk [tilespmem:v3+s1+$0x0], $0xffff  }
0x13d: {  	v6 =	vld.idx.msk [tilespmem:v6+s1+$0x0], $0xffff;
	[tilespmem:s16+$0x50] =	vst v10  }
0x13e: {  	v4 =	vld.idx.msk [tilespmem:v4+s1+$0x0], $0xffff;
	_ =	sdelay $0x1  }
0x13f: {  	[tilespmem:s16+$0x1D0] =	vst v5  }
0x140: {  	v5 =	vld [tilespmem:s17+$0xE0];
	[tilespmem:s16+$0xFFFFFED0] =	vst v3  }
0x141: {  	[tilespmem:s16+$0xFFFFFFD0] =	vst v6;
	v3 =	vld [tilespmem:s17+$0xFFFFFF60]  }
0x142: {  	v6 =	vld [tilespmem:s17+$0xFFFFFFE0];
	[tilespmem:s16+$0xD0] =	vst v4  }
0x143: {  	v4 =	vld [tilespmem:s17+$0x60];
	_ =	sdelay $0x4  }
0x144: {  	v7 =	vld.idx.msk [tilespmem:v5+s1+$0x0], $0xffff  }
0x145: {  	v5 =	vadd.s32 $0x400, v5;
	v8 =	vld.idx.msk [tilespmem:v3+s1+$0x0], $0xffff  }
0x146: {  	v9 =	vld.idx.msk [tilespmem:v6+s1+$0x0], $0xffff;
	v3 =	vadd.s32 $0x400, v3  }
0x147: {  	v6 =	vadd.s32 $0x400, v6;
	v10 =	vld.idx.msk [tilespmem:v4+s1+$0x0], $0xffff  }
0x148: {  	v4 =	vadd.s32 $0x400, v4  }
0x149: {  	[tilespmem:s16+$0x160] =	vst v7  }
0x14a: {  	v5 =	vld.idx.msk [tilespmem:v5+s1+$0x0], $0xffff;
	[tilespmem:s16+$0xFFFFFE60] =	vst v8  }
0x14b: {  	[tilespmem:s16+$0xFFFFFF60] =	vst v9;
	v3 =	vld.idx.msk [tilespmem:v3+s1+$0x0], $0xffff  }
0x14c: {  	s19 =	sadd.s32 $0x400, s19;
	v6 =	vld.idx.msk [tilespmem:v6+s1+$0x0], $0xffff;
	[tilespmem:s16+$0x60] =	vst v10  }
0x14d: {  	s20 =	sadd.s32 $0xFFFFFFE0, s19;
	v4 =	vld.idx.msk [tilespmem:v4+s1+$0x0], $0xffff  }
0x14e: {  	s20 =	sor.u32 $0xE0, s20  }
0x14f: {  	s26 =	sadd.s32 $0xFFFFFDE0, s19;
	[tilespmem:s20+$0x4800] =	vst v5  }
0x150: {  	s21 =	sadd.s32 $0xFFFFFEE0, s19;
	s20 =	sor.u32 $0xE0, s26;
	v5 =	vld [tilespmem:s17+$0xF0];
	[tilespmem:s16+$0xFFFFFEE0] =	vst v3  }
0x151: {  	s21 =	sor.u32 $0xE0, s21;
	[tilespmem:s20+$0x4800] =	vst v6;
	v3 =	vld [tilespmem:s17+$0xFFFFFF70]  }
0x152: {  	[tilespmem:s21+$0x4800] =	vst v4;
	v60 =	vld [tilespmem:s17+$0xFFFFFFF0]  }
0x153: {  	v61 =	vld [tilespmem:s17+$0x70];
	_ =	sdelay $0x4  }
0x154: {  	v7 =	vld.idx.msk [tilespmem:v5+s1+$0x0], $0xffff  }
0x155: {  	v5 =	vadd.s32 $0x400, v5;
	v8 =	vld.idx.msk [tilespmem:v3+s1+$0x0], $0xffff  }
0x156: {  	v3 =	vadd.s32 $0x400, v3;
	v9 =	vld.idx.msk [tilespmem:v60+s1+$0x0], $0xffff  }
0x157: {  	v4 =	vadd.s32 $0x400, v60;
	v10 =	vld.idx.msk [tilespmem:v61+s1+$0x0], $0xffff  }
0x158: {  	[tilespmem:s15+$0xFFFFFEF0] =	vst v2;
	v6 =	vadd.s32 $0x400, v61  }
0x159: {  	v0 =	vld.idx.msk [tilespmem:v0+s1+$0x0], $0xffff;
	[tilespmem:s16+$0x170] =	vst v7  }
0x15a: {  	v62 =	vld.idx.msk [tilespmem:v5+s1+$0x0], $0xffff;
	[tilespmem:s16+$0xFFFFFE70] =	vst v8  }
0x15b: {  	[tilespmem:s16+$0xFFFFFF70] =	vst v9;
	v3 =	vld.idx.msk [tilespmem:v3+s1+$0x0], $0xffff  }
0x15c: {  	v4 =	vld.idx.msk [tilespmem:v4+s1+$0x0], $0xffff;
	[tilespmem:s16+$0x70] =	vst v10  }
0x15d: {  	[tilespmem:s22+$0x4800] =	vst v1;
	v63 =	vld.idx.msk [tilespmem:v6+s1+$0x0], $0xffff  }
0x15e: {  	s28 =	sor.u32 $0xF0, s19;
	[tilespmem:s18+$0x4800] =	vst v0  }
0x15f: {  	s29 =	sadd.s32 $0xFFFFFE00, s19;
	[tilespmem:s28+$0x4800] =	vst v62  }
0x160: {  	s14 =	sadd.s32 $0x1, s14;
	s30 =	sadd.s32 $0xFFFFFF00, s19;
	s15 =	sor.u32 $0xF0, s29;
	[tilespmem:s16+$0xFFFFFEF0] =	vst v3  }
0x161: {  	p0 =	sne.s32 s14, s7;
	s31 =	sor.u32 $0xF0, s30;
	[tilespmem:s15+$0x4800] =	vst v4  }
.Ltmp1:
0x162: {  	[tilespmem:s31+$0x4800] =	vst v63;
	(pc) =	sbr.rel @p0 .LBB2_1-.Ltmp1, $4  }
0x163: {  	[hbm4b:s6+s12] =	stream.strided.scatter [tilespmem:s13], [sflag:$0x1], $0x8000, s9, s12, $0x38;
	[tilespmem:$0xC800] =	vst v63  }
0x164: {  	_ =	swait.ge [sflag:s10], $0x8000  }
0x165: {  	[sflag:s10] =	ssyncset.done $0x0  }
0x166: {  	[sflag:s10] =	ssyncadd.s32 $0xFFFF8000  }
0x167: {  	_ =	sfence.sel $0x180000  }
0x168: {  	[bflag:$0x0] =	sbarrier.arrive $0xFFFF  }
0x169: {  	p0 =	sne.s32 s2, $0x0;
	_ =	strace $0x90000047  }
0x16a: {  	s0 =	sadd.s32 @!p0 $0x100000, s0;
	[bflag:$0x2] =	sbarrier.arrive $0xFFFF  }
0x16b: {  	[sflag:s0] =	ssyncadd.tile.s32 @!p0 $0x1;
	_ =	shalt  }
.Lfunc_end2:
_tile_overlayer_lowered:
.L_overlay_start_2:
0x16c: {  	(tag) =	ssettag $0x2  }
0x16d: {  	s0 =	rddreg [dreg:$0x0];
	s2 =	stileid.u32  }
0x16e: {  	s1 =	rddreg [dreg:$0x1];
	p0 =	sne.s32 s2, $0x0  }
0x16f: {  	s3 =	rddreg [dreg:$0x2];
	[bflag:$0x3] =	sbarrier.arrive $0xFFFF;
	s2 =	simm.s32 @!p0 $0x1C01  }
0x170: {  	[timem:s3], [sflag:s2] =	dma.local @!p0 [hbm:s0], s1  }
0x171: {  	s0 =	simm.s32 @!p0 $0x1  }
0x172: {  	_ =	swait.ge @!p0 [sflag:s0], s1  }
0x173: {  	s1 =	ssub.s32 @!p0 $0x0, s1;
	[sflag:s0] =	ssyncset.done @!p0 $0x0  }
0x174: {  	[sflag:s0] =	ssyncadd.s32 @!p0 s1  }
0x175: {  	[bflag:$0x3] =	sbarrier.arrive $0xFFFF  }
0x176: {  	_ =	shalt  }

</sc_bundles>
